<compile_context>
chip_gen: v7x
topology: tpu7x:2x2x1
jax: 0.10.2.dev20260603
libtpu: 0.0.44.dev20260713+nightly
codegen_flags: <defaults>
</compile_context>

<pallas_src>
import functools

import jax
import jax.numpy as jnp
from jax import lax
from jax.experimental import pallas as pl
from jax.experimental.pallas import tpu as pltpu

_N = 100000
_D = 128
_K = 750
_Q = 1024
_TEMP = 0.5

_BQ = 256
_BN = 2048


def _mm_body(q_ref, m_ref, ip_ref, s_ref):
    q = q_ref[...]
    m = m_ref[...]
    ip = lax.dot_general(
        q.astype(jnp.bfloat16), m.astype(jnp.bfloat16),
        (((1,), (1,)), ((), ())),
        preferred_element_type=jnp.float32,
    )
    msq = jnp.sum(m * m, axis=1)
    ip_ref[...] = ip
    s_ref[...] = 2.0 * ip - msq[None, :]


def _scores(queries, matrix):
    grid = (_Q // _BQ, pl.cdiv(_N, _BN))
    return pl.pallas_call(
        _mm_body,
        grid=grid,
        in_specs=[
            pl.BlockSpec((_BQ, _D), lambda i, j: (i, 0)),
            pl.BlockSpec((_BN, _D), lambda i, j: (j, 0)),
        ],
        out_specs=[
            pl.BlockSpec((_BQ, _BN), lambda i, j: (i, j)),
            pl.BlockSpec((_BQ, _BN), lambda i, j: (i, j)),
        ],
        out_shape=[
            jax.ShapeDtypeStruct((_Q, _N), jnp.float32),
            jax.ShapeDtypeStruct((_Q, _N), jnp.float32),
        ],
    )(queries, matrix)


def kernel(queries, matrix, real_indices):
    ip, s = _scores(queries, matrix)
    _, knn_idx = lax.top_k(s, _K)
    indices = jnp.concatenate(
        [knn_idx, real_indices[:, None].astype(knn_idx.dtype)], axis=1)
    ip_sel = jnp.take_along_axis(ip, indices, axis=1)
    probs = jax.nn.softmax(ip_sel / _TEMP, axis=1)
    top_candidates = jnp.take_along_axis(
        indices, jnp.argmax(probs, axis=1)[:, None], axis=1)[:, 0]
    v = jnp.zeros((_Q, _N), dtype=jnp.float32)
    batch_idx = jnp.arange(_Q)[:, None]
    v = v.at[batch_idx, indices].set(probs)
    return (v, top_candidates)

# --- scband reference (transcript-rebuilt; emitter-appended) ---
"""Pipeline reference for scband-dy-gangenerator-87170656239863 (READ-ONLY COPY).

The authoritative reference and input builder live on the scoring server;
editing this copy changes nothing except your own understanding.
"""

import jax, jax.numpy as jnp
import numpy as np

N = 100000   # number of key vectors (faiss index size)
D = 128      # embedding dim
K = 750      # knn k (faiss_gpu_index default k=750)
Q = 1024     # query batch
TEMP = 0.5   # gumbel-softmax temperature


def setup_inputs(seed: int = 0) -> dict:
    key = jax.random.key(seed)
    k1, k2, k3 = jax.random.split(key, 3)
    queries = jax.random.normal(k1, (Q, D), dtype=jnp.float32)
    matrix = jax.random.normal(k2, (N, D), dtype=jnp.float32)
    real_indices = jax.random.randint(k3, (Q,), 0, N)
    return {"queries": queries, "matrix": matrix, "real_indices": real_indices}


def reference(queries, matrix, real_indices):
    # --- faiss IVF search replaced by exact brute-force L2 top-k ---
    q_sq = jnp.sum(queries * queries, axis=1, keepdims=True)          # [Q,1]
    m_sq = jnp.sum(matrix * matrix, axis=1)                            # [N]
    dists = q_sq - 2.0 * (queries @ matrix.T) + m_sq[None, :]          # [Q,N]
    _, knn_idx = jax.lax.top_k(-dists, K)                              # [Q,K] nearest by L2

    # --- up_project: append the real (ground-truth) index as a candidate ---
    indices = jnp.concatenate(
        [knn_idx, real_indices[:, None].astype(knn_idx.dtype)], axis=1
    )                                                                   # [Q,K+1]

    # inner_products = matmul(matrix[indices], H_graph.unsqueeze(2)).squeeze(2)
    gathered = jnp.take(matrix, indices, axis=0)                        # [Q,K+1,D]
    inner_products = jnp.einsum('qkd,qd->qk', gathered, queries)        # [Q,K+1]

    # gumbel_softmax_sample: gumbel term is 0 in source; softmax(logits/temp, dim=1)
    probs = jax.nn.softmax(inner_products / TEMP, axis=1)

    # top candidate per query
    top_candidates = jnp.take_along_axis(
        indices, jnp.argmax(probs, axis=1)[:, None], axis=1
    )[:, 0]                                                             # [Q]

    # v[batch_indices, indices] = probs  (scatter-overwrite into [Q,N])
    v = jnp.zeros((queries.shape[0], matrix.shape[0]), dtype=jnp.float32)
    batch_idx = jnp.arange(queries.shape[0])[:, None]
    v = v.at[batch_idx, indices].set(probs)
    return (v, top_candidates)

if __name__ == "__main__":
    import jax
    _d = setup_inputs()
    print(jax.jit(kernel)(*tuple(_d.values())))

</pallas_src>

<mosaic_0001>
module attributes {stable_mosaic.version = 14 : i64} {
  func.func @_mm_body(%arg0: i32, %arg1: i32, %arg2: memref<256x128xf32, #tpu.memory_space<vmem>>, %arg3: memref<2048x128xf32, #tpu.memory_space<vmem>>, %arg4: memref<256x2048xf32, #tpu.memory_space<vmem>>, %arg5: memref<256x2048xf32, #tpu.memory_space<vmem>>) attributes {dimension_semantics = [#tpu.dimension_semantics<arbitrary>, #tpu.dimension_semantics<arbitrary>], iteration_bounds = array<i64: 4, 49>, scalar_prefetch = 0 : i64, scratch_operands = 0 : i64, tpu.core_type = #tpu.core_type<tc>, window_params = [{transform_indices = @transform_0, window_bounds = array<i64: 256, 128>}, {transform_indices = @transform_1, window_bounds = array<i64: 2048, 128>}, {transform_indices = @transform_2, window_bounds = array<i64: 256, 2048>}, {transform_indices = @transform_3, window_bounds = array<i64: 256, 2048>}]} {
    %get3A = arith.constant 0 : index
    %get3A_0 = arith.constant 0 : index
    %get3A_1 = vector.load %arg2[%get3A, %get3A_0] : memref<256x128xf32, #tpu.memory_space<vmem>>, vector<256x128xf32>
    %get3A_2 = arith.constant 0 : index
    %get3A_3 = arith.constant 0 : index
    %get3A_4 = vector.load %arg3[%get3A_2, %get3A_3] : memref<2048x128xf32, #tpu.memory_space<vmem>>, vector<2048x128xf32>
    %convert_element_type3A = arith.truncf %get3A_1 : vector<256x128xf32> to vector<256x128xbf16>
    %convert_element_type3A_5 = arith.truncf %get3A_4 : vector<2048x128xf32> to vector<2048x128xbf16>
    %dot_general3A = arith.constant dense<0.000000e+00> : vector<256x2048xf32>
    %dot_general3A_6 = tpu.matmul %convert_element_type3A, %convert_element_type3A_5, %dot_general3A {dimension_numbers = #tpu.dot_dimension_numbers<[1], [1], [0], [0], [0, 0, 1, 0], [], []>, transpose_lhs_hint = false} : vector<256x128xbf16>, vector<2048x128xbf16>, vector<256x2048xf32> -> vector<256x2048xf32>
    %mul3A = arith.mulf %get3A_4, %get3A_4 : vector<2048x128xf32>
    %reduce_sum3A = arith.constant dense<0.000000e+00> : vector<2048xf32>
    %reduce_sum3A_7 = vector.multi_reduction <add>, %mul3A, %reduce_sum3A [1] : vector<2048x128xf32> to vector<2048xf32>
    %swap3A = arith.constant 0 : index
    %swap3A_8 = arith.constant 0 : index
    %swap3A_9 = vector.load %arg4[%swap3A, %swap3A_8] : memref<256x2048xf32, #tpu.memory_space<vmem>>, vector<256x2048xf32>
    tpu.vector_store %arg4[%swap3A, %swap3A_8], %dot_general3A_6 {strides = array<i32>} : memref<256x2048xf32, #tpu.memory_space<vmem>>, vector<256x2048xf32>,
    %mul3A_10 = arith.constant 2.000000e+00 : f32
    %mul3A_11 = vector.broadcast %mul3A_10 : f32 to vector<256x2048xf32>
    %mul3A_12 = arith.mulf %mul3A_11, %dot_general3A_6 : vector<256x2048xf32>
    %broadcast_in_dim3A = vector.shape_cast %reduce_sum3A_7 : vector<2048xf32> to vector<1x2048xf32>
    %sub3A = vector.broadcast %broadcast_in_dim3A : vector<1x2048xf32> to vector<256x2048xf32>
    %sub3A_13 = arith.subf %mul3A_12, %sub3A : vector<256x2048xf32>
    %swap3A_14 = arith.constant 0 : index
    %swap3A_15 = arith.constant 0 : index
    %swap3A_16 = vector.load %arg5[%swap3A_14, %swap3A_15] : memref<256x2048xf32, #tpu.memory_space<vmem>>, vector<256x2048xf32>
    tpu.vector_store %arg5[%swap3A_14, %swap3A_15], %sub3A_13 {strides = array<i32>} : memref<256x2048xf32, #tpu.memory_space<vmem>>, vector<256x2048xf32>,
    return
  }
  func.func @transform_0(%arg0: i32, %arg1: i32) -> (i32, i32) {
    %c0_i32 = arith.constant 0 : i32
    %c0_i32_0 = arith.constant 0 : i32
    return %arg0, %c0_i32 : i32, i32
  }
  func.func @transform_1(%arg0: i32, %arg1: i32) -> (i32, i32) {
    %c0_i32 = arith.constant 0 : i32
    %c0_i32_0 = arith.constant 0 : i32
    return %arg1, %c0_i32 : i32, i32
  }
  func.func @transform_2(%arg0: i32, %arg1: i32) -> (i32, i32) {
    %c0_i32 = arith.constant 0 : i32
    return %arg0, %arg1 : i32, i32
  }
  func.func @transform_3(%arg0: i32, %arg1: i32) -> (i32, i32) {
    %c0_i32 = arith.constant 0 : i32
    return %arg0, %arg1 : i32, i32
  }
}

</mosaic_0001>

<sc_bundles>
// kernel: gather_offload_async_start
scs
__scs_entry_jumppad:
0x0: {  	(pc) =	sbr.rel $0x88, $3  }
0x1: {  	(tag) =	ssettag $0x0;
	lr =	simm.s32 $0x1  }
0x2: {  	[smem:$0x3F9E] =	sst lr;
	_ =	strace $0xD0000000  }
0x3: {  	_ = 	snop  }
0x4: {  	_ = 	snop  }
0x5: {  	_ = 	snop  }
0x6: {  	_ = 	snop  }
0x7: {  	_ = 	snop  }
__scs_overlays_trampoline_lowered:
0x8: {  	[smem:$0x3FAD] =	sst s0  }
0x9: {  	[smem:$0x3FAE] =	sst s1  }
0xa: {  	[smem:$0x3FAF] =	sst s2  }
0xb: {  	[smem:$0x3FB0] =	sst s3  }
0xc: {  	[smem:$0x3FB1] =	sst s4  }
0xd: {  	[smem:$0x3FB2] =	sst s5  }
0xe: {  	[smem:$0x3FB3] =	sst s6  }
0xf: {  	[smem:$0x3FB4] =	sst s7  }
0x10: {  	[smem:$0x3FB5] =	sst s8  }
0x11: {  	[smem:$0x3FB6] =	sst s9;
	s0 =	simm.s32 @!p0 $0x0  }
0x12: {  	s1 =	sld [smem:$0x3F9C];
	s0 =	simm.s32 @p0 $0x1  }
0x13: {  	[smem:$0x3FB7] =	sst s0;
	s0 =	simm.s32 @!p1 $0x0  }
0x14: {  	s2 =	sld [smem:$0x3F9B];
	s0 =	simm.s32 @p1 $0x1  }
0x15: {  	[smem:$0x3FB8] =	sst s0;
	s0 =	simm.s32 @!p2 $0x0  }
0x16: {  	s3 =	sld [smem:$0x3FDB];
	s0 =	simm.s32 @p2 $0x1  }
0x17: {  	s4 =	simm.s32 $0x1BF5;
	[smem:$0x3FBA] =	sst s0  }
0x18: {  	s0 =	sld [smem:$0x3F9D];
	_ =	swait.ge [sflag:s4], $0x0  }
0x19: {  	s7 =	sld [smem:$0x3F9E]  }
0x1a: {  	s8 =	sadd.s32 $0xFFFFE003, lr  }
0x1b: {  	s9 =	sadd.s32 $0xFFFFFEF7, lr;
	s5 =	simm.s32 $0xFFFFFFFF;
	p2 =	slt.u32 s8, $0xFFFFF086  }
0x1c: {  	p1 =	slt.u32 s9, $0xF7A;
	s5 =	simm.s32 @!p2 $0x0  }
0x1d: {  	s5 =	simm.s32 @p1 $0x1;
	p0 =	seq.s32 s7, s2  }
0x1e: {  	s7 =	smul.u32 @!p0 $0xF7A, s2;
	p2 =	seq.s32 @!p0 s5, $0x0  }
0x1f: {  	s9 =	smul.u32 $0xF7A, s1;
	s8 =	simm.s32 @!p0 $0x1BF5;
	p2 =	por !p2, p0  }
0x20: {  	[sflag:s8] =	ssyncset.s32 @!p0 $0xFFFFF086;
	s6 =	sadd.s32 @!p0 s3, s7;
	s7 =	simm.s32 @!p0 $0x108  }
0x21: {  	s3 =	sadd.s32 s3, s9;
	s6 =	sadd.s32 @!p0 $0x88, s6;
	s7 =	simm.s32 @p2 $0x1082  }
0x22: {  	[simem:s7], [sflag:s8] =	dma.local @!p0 [hbm:s6], $0xF7A  }
0x23: {  	s9 =	sor.u32 $0xD0000000, s2;
	s6 =	simm.s32 $0x108;
	_ =	swait.ge @!p0 [sflag:s8], $0x0  }
0x24: {  	s3 =	sadd.s32 $0x88, s3;
	s6 =	simm.s32 @!p1 $0x1082;
	[sflag:s4] =	ssyncset.s32 $0xFFFFF086  }
0x25: {  	[simem:s6], [sflag:s4] =	dma.local [hbm:s3], $0xF7A  }
0x26: {  	[smem:$0x3F9E] =	sst s1;
	(tag) =	ssettag s2;
	_ =	strace s9  }
0x27: {  	s1 =	sld [smem:$0x3FAE]  }
0x28: {  	s2 =	sld [smem:$0x3FAF]  }
0x29: {  	s4 =	sld [smem:$0x3FB1]  }
0x2a: {  	p0 =	seq.s32 s5, $0x0;
	s5 =	sld [smem:$0x3FB2]  }
0x2b: {  	s6 =	sld [smem:$0x3FB3]  }
0x2c: {  	s7 =	sld [smem:$0x3FB4]  }
0x2d: {  	s3 =	simm.s32 $0x108;
	s8 =	sld [smem:$0x3FB5]  }
0x2e: {  	s3 =	simm.s32 @!p0 $0x1082;
	s9 =	sld [smem:$0x3FB6]  }
0x2f: {  	lr =	sadd.s32 s0, s3;
	s0 =	sld [smem:$0x3FAD]  }
0x30: {  	s3 =	sld [smem:$0x3FB0]  }
0x31: {  	[smem:$0x3FB9] =	sst s10  }
0x32: {  	s10 =	sld [smem:$0x3FB7];
	_ =	sdelay $0x3  }
0x33: {  	p0 =	seq.s32 s10, $0x1;
	s10 =	sld [smem:$0x3FB9];
	_ =	sdelay $0x3  }
0x34: {  	[smem:$0x3FB9] =	sst s10  }
0x35: {  	s10 =	sld [smem:$0x3FB8];
	_ =	sdelay $0x3  }
0x36: {  	p1 =	seq.s32 s10, $0x1;
	s10 =	sld [smem:$0x3FB9];
	_ =	sdelay $0x3  }
0x37: {  	[smem:$0x3FB9] =	sst s10  }
0x38: {  	s10 =	sld [smem:$0x3FBA]  }
0x39: {  	_ = 	snop;
	(pc) =	sbr.ind lr, $3  }
0x3a: {  	_ = 	snop  }
0x3b: {  	_ = 	snop  }
0x3c: {  	p2 =	seq.s32 s10, $0x1;
	s10 =	sld [smem:$0x3FB9]  }
0x3d: {  	_ =	shalt  }
0x3e: {  	_ =	shalt  }
0x3f: {  	_ =	shalt  }
0x40: {  	_ =	shalt  }
0x41: {  	_ =	shalt  }
0x42: {  	_ =	shalt  }
0x43: {  	_ =	shalt  }
0x44: {  	_ =	shalt  }
0x45: {  	_ =	shalt  }
0x46: {  	_ =	shalt  }
0x47: {  	_ =	shalt  }
0x48: {  	_ =	shalt  }
0x49: {  	_ =	shalt  }
0x4a: {  	_ =	shalt  }
0x4b: {  	_ =	shalt  }
0x4c: {  	_ =	shalt  }
0x4d: {  	_ =	shalt  }
0x4e: {  	_ =	shalt  }
0x4f: {  	_ =	shalt  }
0x50: {  	_ =	shalt  }
0x51: {  	_ =	shalt  }
0x52: {  	_ =	shalt  }
0x53: {  	_ =	shalt  }
0x54: {  	_ =	shalt  }
0x55: {  	_ =	shalt  }
0x56: {  	_ =	shalt  }
0x57: {  	_ =	shalt  }
0x58: {  	_ =	shalt  }
0x59: {  	_ =	shalt  }
0x5a: {  	_ =	shalt  }
0x5b: {  	_ =	shalt  }
0x5c: {  	_ =	shalt  }
0x5d: {  	_ =	shalt  }
0x5e: {  	_ =	shalt  }
0x5f: {  	_ =	shalt  }
0x60: {  	_ =	shalt  }
0x61: {  	_ =	shalt  }
0x62: {  	_ =	shalt  }
0x63: {  	_ =	shalt  }
0x64: {  	_ =	shalt  }
0x65: {  	_ =	shalt  }
0x66: {  	_ =	shalt  }
0x67: {  	_ =	shalt  }
0x68: {  	_ =	shalt  }
0x69: {  	_ =	shalt  }
0x6a: {  	_ =	shalt  }
0x6b: {  	_ =	shalt  }
0x6c: {  	_ =	shalt  }
0x6d: {  	_ =	shalt  }
0x6e: {  	_ =	shalt  }
0x6f: {  	_ =	shalt  }
0x70: {  	_ =	shalt  }
0x71: {  	_ =	shalt  }
0x72: {  	_ =	shalt  }
0x73: {  	_ =	shalt  }
0x74: {  	_ =	shalt  }
0x75: {  	_ =	shalt  }
0x76: {  	_ =	shalt  }
0x77: {  	_ =	shalt  }
0x78: {  	_ =	shalt  }
0x79: {  	_ =	shalt  }
0x7a: {  	_ =	shalt  }
0x7b: {  	_ =	shalt  }
0x7c: {  	_ =	shalt  }
0x7d: {  	_ =	shalt  }
0x7e: {  	_ =	shalt  }
0x7f: {  	_ =	shalt  }
0x80: {  	_ =	shalt  }
0x81: {  	_ =	shalt  }
0x82: {  	_ =	shalt  }
0x83: {  	_ =	shalt  }
0x84: {  	_ =	shalt  }
0x85: {  	_ =	shalt  }
0x86: {  	_ =	shalt  }
0x87: {  	_ =	shalt  }
.Lfunc_end0:
.L_simem_size_0:
called_computation.3_lowered:
.L_overlay_start_0:
0x88: {  	s2 =	sld [smem:$0x3FD9]  }
0x89: {  	s3 =	sld [smem:$0x3FFE];
	_ =	sdelay $0x1  }
0x8a: {  	s1 =	srdreg.scid  }
0x8b: {  	s0 =	sand.u32 $0x1, s1  }
0x8c: {  	s16 =	sshll.u32 s0, $0xA;
	s2 =	sadd.s32 s3, s2  }
0x8d: {  	s2 =	sadd.s32 s2, s16  }
0x8e: {  	[smem:$0x3FC5] =	sst s2  }
0x8f: {  	_ = 	snop  }
0x90: {  	(tm) =	ssettm $0x1  }
0x91: {  	s17 =	sld [smem:$0x3FFB];
	_ =	sdelay $0x3  }
0x92: {  	_ =	strace s17  }
0x93: {  	s2 =	sld [smem:$0x3FFC];
	_ =	sdelay $0x3  }
0x94: {  	_ =	strace s2  }
0x95: {  	s2 =	sld [smem:$0x3FFD];
	_ =	sdelay $0x3  }
0x96: {  	_ =	strace s2  }
0x97: {  	_ =	strace $0x8FFFFFFF  }
0x98: {  	s18 =	sld [smem:$0x3FDB];
	_ =	sdelay $0x1  }
0x99: {  	s19 =	simm.s32 $_scs_section_size  }
0x9a: {  	s4 =	simm.s32 $_size__tile_overlayer_lowered;
	s5 =	simm.s32 $_tile_overlayer_lowered  }
0x9b: {  	s22 =	simm.s32 $0x1BFF;
	s21 =	sshll.u32 s5, $0x1;
	s2 =	sadd.s32 s19, s18  }
0x9c: {  	s6 =	simm.s32 $0x0;
	s20 =	sshll.u32 s4, $0x1;
	s4 =	sadd.s32 s21, s2  }
0x9d: {  	[timem:s6], [sflag:s22] =	dma.local [hbm:s4], s20  }
0x9e: {  	_ =	swait.ge [sflag:s22], s20  }
0x9f: {  	s3 =	ssub.s32 $0x0, s20;
	[sflag:s22] =	ssyncset.done $0x0  }
0xa0: {  	[sflag:s22] =	ssyncadd.s32 s3;
	_ =	sdelay $0x1  }
0xa1: {  	s23 =	simm.s32 $0x1B8B  }
0xa2: {  	_ =	swait.ge [sflag:s23], $0x1  }
0xa3: {  	[sflag:s23] =	ssyncset.done $0x0  }
0xa4: {  	s25 =	simm.s32 $0x1B8E;
	s24 =	sld [smem:$0x3FFE];
	[sflag:s23] =	ssyncadd.s32 $0xFFFFFFFF  }
0xa5: {  	s26 =	simm.s32 $execute0_lowered;
	[smem:$0x3FD2] =	sst s25  }
0xa6: {  	s4 =	sshll.u32 s26, $0x1;
	_ =	strace $0x8000004F;
	[dreg:$0x1] =	wrdreg $0xFFFFFFFF  }
0xa7: {  	s28 =	simm.s32 $_size_execute0_lowered;
	s2 =	sadd.s32 s2, s4;
	[dreg:$0x0] =	wrdreg $0x0  }
0xa8: {  	s4 =	sshll.u32 s28, $0x1;
	[dreg:$0x2] =	wrdreg s2  }
0xa9: {  	[dreg:$0x3] =	wrdreg s4  }
0xaa: {  	[dreg:$0x4] =	wrdreg $0xC0  }
0xab: {  	_ =	task [dreg:s6], $0x5FFFF  }
0xac: {  	[dreg:$0x1] =	wrdreg $0xFFFFFFFF  }
0xad: {  	[dreg:$0x0] =	wrdreg $0x60  }
0xae: {  	[dreg:$0x2] =	wrdreg s24  }
0xaf: {  	[dreg:$0x3] =	wrdreg $0x9  }
0xb0: {  	_ =	task.clear_ibuf [dreg:s6], $0x4FFFF;
	_ =	strace $0x9000004F  }
0xb1: {  	s29 =	simm.s32 $0x9;
	_ =	strace $0x80000051  }
0xb2: {  	_ =	swait.ge [sflag:s29], $0x1  }
0xb3: {  	[sflag:s29] =	ssyncadd.s32 $0xFFFFFFFF  }
0xb4: {  	_ =	strace $0x90000051  }
0xb5: {  	_ =	sfence  }
0xb6: {  	s30 =	sld [smem:$0x0];
	_ =	sdelay $0x2  }
0xb7: {  	s31 =	sshll.u32 s1, $0xD;
	s1 =	sshrl.u32 s1, $0x2  }
0xb8: {  	s3 =	sand.u32 $0x4000, s31;
	s1 =	sadd.s32 s1, s30  }
0xb9: {  	s0 =	sor.u32 s3, s0;
	s1 =	sshll.u32 s1, $0x11  }
0xba: {  	s0 =	sor.u32 s1, s0  }
0xbb: {  	s0 =	sadd.s32 $0x8F2B, s0  }
0xbc: {  	[sflag:s0] =	ssyncadd.remote.s32 $0x1  }
0xbd: {  	_ =	sfence.sel $0xFFFF  }
0xbe: {  	[dreg:$0x0] =	wrdreg $0xFFFFFFFF;
	(pc) =	sbr.abs _section_cstart, $3  }
0xbf: {  	[dreg:$0x1] =	wrdreg $0xFFFFFFFF  }
0xc0: {  	_ =	task.clear_ibuf [dreg:s6], $0x2FFFF;
	_ =	strace $0x9FFFFFFF  }
0xc1: {  	(tm) =	ssettm $0x7FFFFFFF  }
tec
execute0_lowered:
.L_overlay_start_1:
0x0: {  	(tag) =	ssettag $0x1  }
0x1: {  	s0 =	stileid.u32;
	s1 =	srdreg.scid  }
0x2: {  	s1 =	sand.u32 $0x1, s1;
	s2 =	sshll.u32 s0, $0x1  }
0x3: {  	s1 =	sor.u32 s2, s1  }
0x4: {  	s2 =	smul.u32 $0x2EF0, s1;
	_ =	sdelay $0x1  }
0x5: {  	s6 =	ssub.s32 $0xBBC00, s2  }
0x6: {  	s31 =	smulhi.u32 $0xAE87B, s6  }
0x7: {  	s8 =	rddreg [dreg:$0x0];
	s5 =	simm.s32 $0x1;
	s10 =	simm.s32 $0x3  }
0x8: {  	s13 =	simm.s32 $0x0;
	s12 =	simm.s32 $0x0;
	s7 =	sshrl.u32 s31, $0x6  }
0x9: {  	s3 =	sadd.s32 $0xC38000, s8;
	s4 =	sadd.s32 $0xBBC000, s8;
	s9 =	smul.u32 $0x5DE00, s7  }
.Ltmp0:
0xa: {  	s8 =	sadd.s32 $0xBEB000, s8;
	s1 =	rddreg [dreg:$0x1];
	(pc) =	sbr.rel .LBB2_1-.Ltmp0, $4  }
0xb: {  	_ =	strace $0x80000050;
	p0 =	sne.s32 s6, s9;
	s9 =	simm.s32 $0x1  }
0xc: {  	[sflag:s5] =	ssyncpa.u1 $0x0;
	s6 =	simm.s32 $0x2;
	s9 =	simm.s32 @!p0 $0x0  }
0xd: {  	s11 =	smov.u32 s2;
	[sflag:s6] =	ssyncpa.u1 $0x0;
	s7 =	sadd.s32 s9, s7  }
0xe: {  	vm0 =	vmmov $0xffff;
	[sflag:s10] =	ssyncpa.u1 $0x0;
	s10 =	simm.s32 $0x0;
	s9 =	sadd.s32 $0x1, s7  }
.LBB2_4:
0xf: {  	vm1 =	veq.s32 v4, $0x80000000;
	v56 =	vand.u32 $0x3FF, v4;
	v6 =	vand.u32 $0x1FFFF, v6  }
0x10: {  	v2 =	vor.u32 v2, v5;
	v59 =	vshrl.u32 v1, $0xA;
	v60 =	vand.u32 $0x3FF, v1  }
0x11: {  	v4 =	vsel vm1, $0xFFFFFFFF, v56;
	v6 =	vsel vm1, $0xFFFFFFFF, v6;
	v2 =	vor.u32 v3, v2  }
0x12: {  	vm1 =	veq.s32 v1, $0x80000000;
	v5 =	vand.u32 $0x1FFFF, v59;
	v7 =	vshrl.u32 v4, $0x3  }
0x13: {  	v57 =	vshll.u32 v6, $0x3;
	v4 =	vshll.u32 v4, $0x7;
	v1 =	vsel vm1, $0xFFFFFFFF, v60  }
0x14: {  	v5 =	vsel vm1, $0xFFFFFFFF, v5;
	v6 =	vand.u32 $0x7F, v6;
	v7 =	vmul.u32 $0xC3800, v7  }
0x15: {  	v58 =	vand.u32 $0xFFFFFC00, v57;
	v4 =	vand.u32 $0x380, v4;
	v61 =	vshrl.u32 v1, $0x3  }
0x16: {  	v62 =	vshll.u32 v5, $0x3;
	v3 =	vadd.s32 v7, v58;
	v7 =	vmul.u32 $0xC3800, v61  }
0x17: {  	v1 =	vshll.u32 v1, $0x7;
	v3 =	vor.u32 v4, v3;
	v4 =	vand.u32 $0xFFFFFC00, v62  }
0x18: {  	v1 =	vand.u32 $0x380, v1;
	v3 =	vor.u32 v6, v3;
	v4 =	vadd.s32 v7, v4  }
0x19: {  	[tilespmem:s16], [sflag:$0x1] =	stream.indirect_vreg.gather [hbm4b:s3+s10], $0x1, v0, vm0, $0x4038;
	v63 =	vand.u32 $0x7F, v5;
	v1 =	vor.u32 v1, v4;
	[tilespmem:$0xBBC0] =	vst v63  }
0x1a: {  	s15 =	sadd.s32 $0x10, s15;
	(ifvalue) =	ssetifvalue $0x7FFFFFFF;
	v0 =	vor.u32 v63, v1  }
0x1b: {  	[tilespmem:s15], [sflag:$0x1] =	stream.indirect_vreg.gather [hbm4b:s3+s10], $0x1, v2, vm0, $0x4038;
	[tilespmem:$0xBBC0] =	vst v63  }
0x1c: {  	s15 =	sadd.s32 $0x10, s15;
	(ifvalue) =	ssetifvalue $0x7FFFFFFF  }
0x1d: {  	[tilespmem:s15], [sflag:$0x1] =	stream.indirect_vreg.gather [hbm4b:s3+s10], $0x1, v3, vm0, $0x4038;
	[tilespmem:$0xBBC0] =	vst v63  }
0x1e: {  	s15 =	sadd.s32 $0x10, s15;
	(ifvalue) =	ssetifvalue $0x7FFFFFFF  }
0x1f: {  	[tilespmem:s15], [sflag:$0x1] =	stream.indirect_vreg.gather [hbm4b:s3+s10], $0x1, v0, vm0, $0x4038;
	[tilespmem:$0xBBC0] =	vst v63  }
0x20: {  	_ =	swait.ge [sflag:s5], $0x2EF0  }
0x21: {  	s30 =	sshrl.u32 s13, $0x3;
	[sflag:s5] =	ssyncset.done $0x0  }
0x22: {  	s31 =	sand.u32 $0x7, s13;
	s15 =	sadd.s32 s8, s30;
	[sflag:s5] =	ssyncadd.s32 $0xFFFFD110  }
0x23: {  	[hbm4b:s15+s31] =	stream.linear.scatter [tilespmem:s14], [sflag:$0x3], $0x2EF0, $0x38;
	[tilespmem:$0xBBC0] =	vst v63  }
.LBB2_5:
0x24: {  	s15 =	sadd.s32 $0x5DE00, s11  }
0x25: {  	p1 =	sgt.s32 s15, $0xBBBFF  }
0x26: {  	s15 =	smov.u32 @p1 s2;
	p1 =	sne.s32 s12, s9  }
.Ltmp1:
0x27: {  	p0 =	slt.u32 s12, $0x2;
	(pc) =	sbr.rel @!p1 .LBB2_6-.Ltmp1, $4  }
0x28: {  	s14 =	simm.s32 @!p0 $0x3  }
0x29: {  	_ =	swait.ge @!p0 [sflag:s14], $0x2EF0  }
0x2a: {  	s16 =	sadd.s32 $0x1, s12;
	s13 =	smov.u32 s11;
	[sflag:s14] =	ssyncset.done @!p0 $0x0  }
0x2b: {  	s12 =	smov.u32 s16;
	s11 =	smov.u32 s15;
	[sflag:s14] =	ssyncadd.s32 @!p0 $0xFFFFD110  }
.LBB2_1:
0x2c: {  	p0 =	sge.u32 s12, s7  }
0x2d: {  	s14 =	sxor.u32 @!p0 $0xFFFFFFFF, s12  }
0x2e: {  	s14 =	sand.u32 @!p0 $0x1, s14  }
0x2f: {  	s14 =	smul.u32 @!p0 $0xBBC0, s14  }
0x30: {  	s31 =	sadd.s32 $0xFFFFFFFF, s12;
	s15 =	sshrl.u32 @!p0 s11, $0x3  }
0x31: {  	s16 =	sand.u32 @!p0 $0x7, s11;
	s15 =	sadd.s32 @!p0 s4, s15;
	s14 =	sshrl.u32 @!p0 s14, $0x2  }
0x32: {  	[tilespmem:s14], [sflag:$0x2] =	stream.linear.gather @!p0 [hbm4b:s15+s16], $0x2EF0, $0x38;
	[tilespmem:$0xBBC0] =	vst v63  }
0x33: {  	p0 =	sge.u32 s31, s7  }
.Ltmp2:
0x34: {  	_ = 	snop;
	(pc) =	sbr.rel @p0 .LBB2_5-.Ltmp2, $1  }
0x35: {  	_ =	sdelay $0x3  }
0x36: {  	s14 =	sand.u32 $0x1, s12  }
0x37: {  	_ =	swait.ge [sflag:s6], $0x2EF0;
	p0 =	seq.s32 s14, $0x1;
	s14 =	simm.s32 $0x2EF0  }
0x38: {  	[sflag:s6] =	ssyncset.done $0x0;
	s14 =	simm.s32 @!p0 $0x0  }
0x39: {  	[sflag:s6] =	ssyncadd.s32 $0xFFFFD110;
	(ifvalue) =	ssetifvalue $0x7FFFFFFF;
	v0 =	vld.msk [tilespmem:s14+$0x0 ss:$0x1], $0xffff  }
0x3a: {  	s15 =	sadd.s32 $0x10, s14  }
0x3b: {  	v1 =	vld.msk [tilespmem:s15+$0x0 ss:$0x1], $0xffff;
	_ =	sdelay $0x2  }
0x3c: {  	v2 =	vshrl.u32 v0, $0xA  }
0x3d: {  	vm1 =	veq.s32 v0, $0x80000000;
	v0 =	vand.u32 $0x3FF, v0;
	v2 =	vand.u32 $0x1FFFF, v2  }
0x3e: {  	v0 =	vsel vm1, $0xFFFFFFFF, v0;
	v6 =	vshrl.u32 v1, $0xA;
	v2 =	vsel vm1, $0xFFFFFFFF, v2  }
0x3f: {  	v3 =	vshrl.u32 v0, $0x3;
	v0 =	vshll.u32 v0, $0x7;
	vm1 =	veq.s32 v1, $0x80000000  }
0x40: {  	s15 =	sadd.s32 $0x10, s15;
	v1 =	vand.u32 $0x3FF, v1;
	v4 =	vshll.u32 v2, $0x3;
	v3 =	vmul.u32 $0xC3800, v3  }
0x41: {  	v0 =	vand.u32 $0x380, v0;
	v7 =	vand.u32 $0x7F, v2;
	v5 =	vand.u32 $0xFFFFFC00, v4;
	v4 =	vld.msk [tilespmem:s15+$0x0 ss:$0x1], $0xffff  }
0x42: {  	v1 =	vsel vm1, $0xFFFFFFFF, v1;
	v2 =	vadd.s32 v3, v5;
	v3 =	vand.u32 $0x1FFFF, v6  }
0x43: {  	v3 =	vsel vm1, $0xFFFFFFFF, v3;
	v0 =	vor.u32 v0, v2;
	v2 =	vshrl.u32 v1, $0x3  }
0x44: {  	v1 =	vshll.u32 v1, $0x7;
	v5 =	vshll.u32 v3, $0x3;
	v8 =	vmul.u32 $0xC3800, v2  }
0x45: {  	s18 =	simm.s32 $0x30;
	s14 =	sadd.s32 $0x5DE0, s14;
	s17 =	sadd.s32 $0x10, s15;
	v2 =	vand.u32 $0x380, v1;
	v0 =	vor.u32 v7, v0;
	v5 =	vand.u32 $0xFFFFFC00, v5  }
0x46: {  	s16 =	smov.u32 s14;
	s15 =	smov.u32 s14;
	v1 =	vld.msk [tilespmem:s17+$0x0 ss:$0x1], $0xffff;
	v3 =	vand.u32 $0x7F, v3;
	(ifvalue) =	ssetifvalue $0x7FFFFFFF;
	v6 =	vshrl.u32 v4, $0xA;
	v5 =	vadd.s32 v8, v5  }
.LBB2_3:
0x47: {  	s18 =	sadd.s32 $0x10, s18  }
0x48: {  	vm1 =	veq.s32 v4, $0x80000000;
	v4 =	vand.u32 $0x3FF, v4;
	v6 =	vand.u32 $0x1FFFF, v6;
	s15 =	sadd.s32 $0x10, s15;
	p0 =	slt.u32 s18, $0x2EE0  }
.Ltmp3:
0x49: {  	v5 =	vor.u32 v2, v5;
	v4 =	vsel vm1, $0xFFFFFFFF, v4;
	v7 =	vsel vm1, $0xFFFFFFFF, v6;
	(pc) =	sbr.rel @p0 .LBB2_3-.Ltmp3, $4  }
0x4a: {  	v2 =	vshrl.u32 v4, $0x3;
	v6 =	vshll.u32 v7, $0x3;
	v4 =	vshll.u32 v4, $0x7;
	[tilespmem:s16], [sflag:$0x1] =	stream.indirect_vreg.gather [hbm4b:s3+s10], $0x1, v0, vm0, $0x4038;
	[tilespmem:$0xBBC0] =	vst v63  }
0x4b: {  	v0 =	vor.u32 v3, v5;
	s16 =	smov.u32 s15;
	v8 =	vmul.u32 $0xC3800, v2;
	v2 =	vand.u32 $0x380, v4  }
0x4c: {  	s17 =	sadd.s32 $0x10, s17;
	v9 =	vand.u32 $0xFFFFFC00, v6  }
0x4d: {  	v3 =	vand.u32 $0x7F, v7;
	v6 =	vshrl.u32 v1, $0xA;
	v5 =	vadd.s32 v8, v9;
	(ifvalue) =	ssetifvalue $0x7FFFFFFF;
	v4 =	vmovc v1;
	v1 =	vld.msk [tilespmem:s17+$0x0 ss:$0x1], $0xffff  }
.Ltmp4:
0x4e: {  	_ = 	snop;
	(pc) =	sbr.rel .LBB2_4-.Ltmp4, $1  }
0x4f: {  	_ =	sdelay $0x3  }
.LBB2_6:
0x50: {  	_ =	sfence.sel $0x180000  }
0x51: {  	s2 =	simm.s32 $0x2;
	[bflag:$0x0] =	sbarrier.arrive $0xFFFF  }
0x52: {  	s30 =	simm.s32 $0x3;
	[sflag:s2] =	ssyncpa.u1 $0x1  }
0x53: {  	s31 =	simm.s32 $0x1;
	[sflag:s30] =	ssyncpa.u1 $0x1  }
0x54: {  	[sflag:s31] =	ssyncpa.u1 $0x1  }
0x55: {  	p0 =	sne.s32 s0, $0x0;
	_ =	strace $0x90000050  }
0x56: {  	s0 =	sadd.s32 @!p0 $0x100000, s1;
	[bflag:$0x2] =	sbarrier.arrive $0xFFFF  }
0x57: {  	[sflag:s0] =	ssyncadd.tile.s32 @!p0 $0x1;
	_ =	shalt  }
.Lfunc_end2:
_tile_overlayer_lowered:
.L_overlay_start_2:
0x58: {  	(tag) =	ssettag $0x2  }
0x59: {  	s0 =	rddreg [dreg:$0x0];
	s2 =	stileid.u32  }
0x5a: {  	s1 =	rddreg [dreg:$0x1];
	p0 =	sne.s32 s2, $0x0  }
0x5b: {  	s3 =	rddreg [dreg:$0x2];
	[bflag:$0x3] =	sbarrier.arrive $0xFFFF;
	s2 =	simm.s32 @!p0 $0x1C01  }
0x5c: {  	[timem:s3], [sflag:s2] =	dma.local @!p0 [hbm:s0], s1  }
0x5d: {  	s0 =	simm.s32 @!p0 $0x1  }
0x5e: {  	_ =	swait.ge @!p0 [sflag:s0], s1  }
0x5f: {  	s1 =	ssub.s32 @!p0 $0x0, s1;
	[sflag:s0] =	ssyncset.done @!p0 $0x0  }
0x60: {  	[sflag:s0] =	ssyncadd.s32 @!p0 s1  }
0x61: {  	[bflag:$0x3] =	sbarrier.arrive $0xFFFF  }
0x62: {  	_ =	shalt  }

// kernel: sparse-core-data-format-call.1.cloned.1.call-start
scs
called_computation.1_lowered:
.L_overlay_start_0:
0x0: {  	s2 =	sld [smem:$0x3FD9]  }
0x1: {  	s3 =	sld [smem:$0x3FFE];
	_ =	sdelay $0x1  }
0x2: {  	s1 =	srdreg.scid  }
0x3: {  	s0 =	sand.u32 $0x1, s1  }
0x4: {  	s18 =	sshll.u32 s0, $0xA;
	s2 =	sadd.s32 s3, s2  }
0x5: {  	s2 =	sadd.s32 s2, s18  }
0x6: {  	[smem:$0x3FC5] =	sst s2  }
0x7: {  	_ = 	snop  }
0x8: {  	(tm) =	ssettm $0x1  }
0x9: {  	s19 =	sld [smem:$0x3FFB];
	_ =	sdelay $0x3  }
0xa: {  	_ =	strace s19  }
0xb: {  	s2 =	sld [smem:$0x3FFC];
	_ =	sdelay $0x3  }
0xc: {  	_ =	strace s2  }
0xd: {  	s2 =	sld [smem:$0x3FFD];
	_ =	sdelay $0x3  }
0xe: {  	_ =	strace s2  }
0xf: {  	_ =	strace $0x8FFFFFFF  }
0x10: {  	s20 =	sld [smem:$0x3FDB];
	_ =	sdelay $0x1  }
0x11: {  	s21 =	simm.s32 $_scs_section_size  }
0x12: {  	s4 =	simm.s32 $_size__tile_overlayer_lowered;
	s5 =	simm.s32 $_tile_overlayer_lowered  }
0x13: {  	s6 =	simm.s32 $0x1BFF;
	s22 =	sshll.u32 s5, $0x1;
	s3 =	sadd.s32 s21, s20  }
0x14: {  	s23 =	simm.s32 $0x0;
	s4 =	sshll.u32 s4, $0x1;
	s5 =	sadd.s32 s22, s3  }
0x15: {  	[timem:s23], [sflag:s6] =	dma.local [hbm:s5], s4  }
0x16: {  	_ =	swait.ge [sflag:s6], s4  }
0x17: {  	s4 =	ssub.s32 $0x0, s4;
	[sflag:s6] =	ssyncset.done $0x0  }
0x18: {  	[sflag:s6] =	ssyncadd.s32 s4;
	_ =	sdelay $0x1  }
0x19: {  	s24 =	simm.s32 $0x1B8B  }
0x1a: {  	_ =	swait.ge [sflag:s24], $0x1  }
0x1b: {  	[sflag:s24] =	ssyncset.done $0x0  }
0x1c: {  	[sflag:s24] =	ssyncadd.s32 $0xFFFFFFFF  }
0x1d: {  	s4 =	sld [smem:$0x0]  }
0x1e: {  	s5 =	sand.u32 $0xFFFFFFFE, s1  }
0x1f: {  	p0 =	sne.s32 s1, s5  }
0x20: {  	s5 =	sshll.u32 @p0 s5, $0xE  }
0x21: {  	s5 =	sadd.s32 @p0 $0x11B8D, s5;
	s6 =	sshll.u32 @p0 s4, $0x11  }
0x22: {  	s5 =	sor.u32 @p0 s6, s5  }
0x23: {  	[sflag:s5] =	ssyncadd.remote.s32 @p0 $0x1;
	_ =	sdelay $0x1  }
0x24: {  	s5 =	simm.s32 @p0 $0x1B8D  }
0x25: {  	_ =	swait.eq @p0 [sflag:s5], $0x1  }
0x26: {  	[sflag:s5] =	ssyncadd.s32 @p0 $0xFFFFFFFF  }
0x27: {  	s6 =	sshll.u32 @!p0 s1, $0xE  }
0x28: {  	s6 =	sor.u32 @!p0 $0x4000, s6;
	s5 =	simm.s32 @!p0 $0x1B8D  }
0x29: {  	s4 =	sshll.u32 @!p0 s4, $0x11;
	s6 =	sadd.s32 @!p0 $0x11B8D, s6;
	_ =	swait.eq @!p0 [sflag:s5], $0x1  }
0x2a: {  	s4 =	sor.u32 @!p0 s4, s6;
	[sflag:s5] =	ssyncadd.s32 @!p0 $0xFFFFFFFF  }
0x2b: {  	s26 =	simm.s32 $0x1B8E;
	s25 =	sld [smem:$0x3FFE];
	[sflag:s4] =	ssyncadd.remote.s32 @!p0 $0x1  }
0x2c: {  	s27 =	simm.s32 $execute0_lowered;
	[smem:$0x3FD2] =	sst s26  }
0x2d: {  	s5 =	sshll.u32 s27, $0x1;
	_ =	strace $0x8000004C;
	[dreg:$0x1] =	wrdreg $0xFFFFFFFF  }
0x2e: {  	s28 =	simm.s32 $_size_execute0_lowered;
	s3 =	sadd.s32 s3, s5;
	[dreg:$0x0] =	wrdreg $0x0  }
0x2f: {  	s5 =	sshll.u32 s28, $0x1;
	[dreg:$0x2] =	wrdreg s3  }
0x30: {  	[dreg:$0x3] =	wrdreg s5  }
0x31: {  	[dreg:$0x4] =	wrdreg $0xC0  }
0x32: {  	_ =	task [dreg:s23], $0x5FFFF  }
0x33: {  	[dreg:$0x1] =	wrdreg $0xFFFFFFFF  }
0x34: {  	[dreg:$0x0] =	wrdreg $0x60  }
0x35: {  	[dreg:$0x2] =	wrdreg s25  }
0x36: {  	[dreg:$0x3] =	wrdreg $0xA  }
0x37: {  	_ =	task.clear_ibuf [dreg:s23], $0x4FFFF;
	_ =	strace $0x9000004C  }
0x38: {  	s29 =	simm.s32 $0xA;
	_ =	strace $0x8000004E  }
0x39: {  	_ =	swait.ge [sflag:s29], $0x1  }
0x3a: {  	[sflag:s29] =	ssyncadd.s32 $0xFFFFFFFF  }
0x3b: {  	_ =	strace $0x9000004E  }
0x3c: {  	_ =	sfence  }
0x3d: {  	s30 =	sld [smem:$0x0];
	_ =	sdelay $0x2  }
0x3e: {  	s31 =	sshll.u32 s1, $0xD;
	s1 =	sshrl.u32 s1, $0x2  }
0x3f: {  	s4 =	sand.u32 $0x4000, s31;
	s1 =	sadd.s32 s1, s30  }
0x40: {  	s0 =	sor.u32 s4, s0;
	s1 =	sshll.u32 s1, $0x11  }
0x41: {  	s0 =	sor.u32 s1, s0  }
0x42: {  	s0 =	sadd.s32 $0x8F2B, s0  }
0x43: {  	[sflag:s0] =	ssyncadd.remote.s32 $0x1  }
0x44: {  	_ =	sfence.sel $0xFFFF  }
0x45: {  	[dreg:$0x0] =	wrdreg $0xFFFFFFFF;
	(pc) =	sbr.abs _section_cstart, $3  }
0x46: {  	[dreg:$0x1] =	wrdreg $0xFFFFFFFF  }
0x47: {  	_ =	task.clear_ibuf [dreg:s23], $0x2FFFF;
	_ =	strace $0x9FFFFFFF  }
0x48: {  	(tm) =	ssettm $0x7FFFFFFF  }
0x49: {  	_ =	shalt  }
tec
execute0_lowered:
.L_overlay_start_1:
0x0: {  	(tag) =	ssettag $0x1  }
0x1: {  	s0 =	stileid.u32;
	s1 =	srdreg.scid  }
0x2: {  	s7 =	rddreg [dreg:$0x0];
	s31 =	simm.s32 $0x2;
	s14 =	simm.s32 $0x0  }
0x3: {  	s13 =	simm.s32 $0x0;
	s12 =	simm.s32 $0x0;
	s2 =	sshll.u32 s0, $0x7  }
0x4: {  	s3 =	sshll.u32 s0, $0x4;
	s1 =	sshll.u32 s1, $0x8;
	s2 =	sand.u32 $0x380, s2  }
0x5: {  	s3 =	sor.u32 s3, s1;
	s1 =	rddreg [dreg:$0x1];
	_ =	strace $0x8000004D  }
0x6: {  	s3 =	sand.u32 $0x180, s3;
	s4 =	ssub.s32 $0x400, s2;
	s11 =	smov.u32 s2  }
0x7: {  	s5 =	sand.u32 $0x380, s4;
	s6 =	ssub.s32 $0x17700, s3;
	s9 =	sshrl.u32 s4, $0xA  }
0x8: {  	p0 =	sne.s32 s5, $0x0;
	s5 =	simm.s32 $0x1;
	s8 =	sand.u32 $0x180, s6  }
0x9: {  	s5 =	simm.s32 @!p0 $0x0;
	p0 =	sne.s32 s8, $0x0;
	s8 =	simm.s32 $0x1  }
.Ltmp0:
0xa: {  	s6 =	sshrl.u32 s6, $0x9;
	s8 =	simm.s32 @!p0 $0x0;
	(pc) =	sbr.rel .LBB1_1-.Ltmp0, $4  }
0xb: {  	s4 =	simm.s32 $0x1;
	s5 =	sadd.s32 s5, s9;
	s6 =	sadd.s32 s8, s6  }
0xc: {  	s10 =	smov.u32 s3;
	[sflag:s4] =	ssyncpa.u1 $0x0;
	s5 =	smul.u32 s5, s6  }
0xd: {  	[sflag:s31] =	ssyncpa.u1 $0x0;
	p0 =	por $0x0, $0x0;
	s9 =	simm.s32 $0x2000  }
0xe: {  	s6 =	sadd.s32 $0x2428000, s7;
	s7 =	sadd.s32 $0x2FE0000, s7;
	s8 =	sadd.s32 $0x1, s5  }
.LBB1_4:
0xf: {  	v5 =	vld [tilespmem:s18+$0xFFFFFFD0];
	[tilespmem:s17+$0x2040 ss:$0x81] =	vst.msk $0xffff, v4;
	s20 =	sshll.u32 s14, $0xA;
	s21 =	sshll.u32 s13, $0x3  }
0x10: {  	v58 =	vld [tilespmem:s18+$0xFFFFFFE0];
	[tilespmem:s17+$0x2850 ss:$0x81] =	vst.msk $0xffff, v3;
	s20 =	sand.u32 $0xFFFFE000, s20;
	s21 =	sand.u32 $0xFFFFFC00, s21  }
0x11: {  	s19 =	sshra.s32 s19, $0x2;
	v59 =	vld [tilespmem:s18+$0xFFFFFFF0];
	[tilespmem:s17+$0x3060 ss:$0x81] =	vst.msk $0xffff, v2;
	s20 =	sadd.s32 s21, s20  }
0x12: {  	v60 =	vld [tilespmem:s18+$0x0];
	[tilespmem:s17+$0x0 ss:$0x81] =	vst.msk $0xffff, v0;
	s16 =	sadd.s32 s19, s16;
	s26 =	sshrl.u32 s20, $0xA  }
0x13: {  	v61 =	vld [tilespmem:s18+$0x10];
	[tilespmem:s16+$0x3870 ss:$0x81] =	vst.msk $0xffff, v1;
	s27 =	smulhi.u32 $0x2BB0D, s26  }
0x14: {  	v62 =	vld [tilespmem:s18+$0x20];
	[tilespmem:s16+$0x810 ss:$0x81] =	vst.msk $0xffff, v5  }
0x15: {  	v63 =	vld [tilespmem:s18+$0xFFFFFFC0];
	s28 =	sshll.u32 s14, $0x7;
	[tilespmem:s16+$0x1020 ss:$0x81] =	vst.msk $0xffff, v58;
	s29 =	sshrl.u32 s27, $0x2  }
0x16: {  	s30 =	sand.u32 $0x78, s13;
	s14 =	sand.u32 $0x380, s28;
	[tilespmem:s16+$0x1830 ss:$0x81] =	vst.msk $0xffff, v59;
	s18 =	smul.u32 $0x17700, s29  }
0x17: {  	s14 =	sor.u32 s30, s14;
	[tilespmem:s16+$0x2040 ss:$0x81] =	vst.msk $0xffff, v60  }
0x18: {  	s31 =	sand.u32 $0x7, s13;
	s14 =	sshrl.u32 s14, $0x3;
	[tilespmem:s16+$0x2850 ss:$0x81] =	vst.msk $0xffff, v61;
	s17 =	ssub.s32 s26, s18  }
0x19: {  	s13 =	sshll.u32 s31, $0x12;
	s14 =	sadd.s32 s7, s14;
	[tilespmem:s16+$0x3060 ss:$0x81] =	vst.msk $0xffff, v62;
	s17 =	sshll.u32 s17, $0x7  }
0x1a: {  	s13 =	sor.u32 $0x400, s13;
	[tilespmem:s16+$0x0 ss:$0x81] =	vst.msk $0xffff, v63;
	s14 =	sadd.s32 s17, s14  }
0x1b: {  	[hbm4b:s14+s13] =	stream.strided.scatter [tilespmem:s15], [sflag:$0x2], $0x4000, s9, s13, $0x20;
	[tilespmem:$0x10100] =	vst v63  }
.LBB1_5:
0x1c: {  	s15 =	sadd.s32 $0x200, s10  }
0x1d: {  	s13 =	sadd.s32 $0x400, s11;
	s17 =	smov.u32 s11;
	p2 =	sgt.s32 s15, $0x176FF  }
0x1e: {  	s17 =	smov.u32 @p2 s13  }
0x1f: {  	s15 =	smov.u32 @p2 s3;
	p2 =	sgt.s32 s17, $0x3FF  }
0x20: {  	s17 =	smov.u32 @p2 s2;
	p2 =	sne.s32 s12, s8  }
.Ltmp1:
0x21: {  	p1 =	slt.u32 s12, $0x2;
	(pc) =	sbr.rel @!p2 .LBB1_6-.Ltmp1, $4  }
0x22: {  	s16 =	simm.s32 @!p1 $0x2  }
0x23: {  	s14 =	smov.u32 s10;
	p0 =	por !p0, !p0;
	_ =	swait.ge @!p1 [sflag:s16], $0x4000  }
0x24: {  	s13 =	smov.u32 s11;
	[sflag:s16] =	ssyncset.done @!p1 $0x0;
	s10 =	smov.u32 s15  }
0x25: {  	s12 =	sadd.s32 $0x1, s12;
	[sflag:s16] =	ssyncadd.s32 @!p1 $0xFFFFC000;
	s11 =	smov.u32 s17  }
.LBB1_1:
0x26: {  	p1 =	sge.u32 s12, s5  }
0x27: {  	s15 =	sshrl.u32 @!p1 s11, $0x3  }
0x28: {  	s16 =	sshll.u32 @!p1 s10, $0x3;
	s15 =	smul.u32 @!p1 $0xBB800, s15  }
0x29: {  	s17 =	sshll.u32 @!p1 s11, $0x7;
	s16 =	sand.u32 @!p1 $0xFFFFFC00, s16  }
0x2a: {  	s15 =	sadd.s32 @!p1 s15, s16;
	s16 =	sand.u32 @!p1 $0x380, s17  }
0x2b: {  	s17 =	sand.u32 @!p1 $0x7F, s10;
	s15 =	sor.u32 @!p1 s16, s15  }
0x2c: {  	s16 =	sor.u32 @!p1 s17, s15  }
0x2d: {  	s17 =	smulhi.u32 @!p1 $0x57619F1, s16;
	_ =	sdelay $0x1  }
0x2e: {  	s15 =	smulhi.u32 @!p1 $0x57619F1, s15;
	s17 =	sshrl.u32 @!p1 s17, $0xB  }
0x2f: {  	s17 =	smul.u32 @!p1 $0x17700, s17  }
0x30: {  	s31 =	sadd.s32 $0xFFFFFFFF, s12;
	s18 =	sxor.u32 @!p1 $0xFFFFFFFF, s12;
	s15 =	sshrl.u32 @!p1 s15, $0xB  }
0x31: {  	s18 =	sshll.u32 @!p1 s18, $0xE;
	s15 =	sand.u32 @!p1 $0x3FF, s15;
	s16 =	ssub.s32 @!p1 s16, s17  }
0x32: {  	s15 =	smul.u32 @!p1 $0x2EE0, s15;
	s17 =	sshrl.u32 @!p1 s16, $0x3;
	s16 =	sand.u32 @!p1 $0x7, s16  }
0x33: {  	s18 =	sand.u32 @!p1 $0x4000, s18;
	s17 =	sadd.s32 @!p1 s6, s17;
	s16 =	sshll.u32 @!p1 s16, $0x12  }
0x34: {  	s15 =	sadd.s32 @!p1 s15, s17;
	s16 =	sor.u32 @!p1 $0x400, s16;
	s17 =	simm.s32 @!p1 $0xBB800  }
0x35: {  	[tilespmem:s18], [sflag:$0x1] =	stream.strided.gather @!p1 [hbm4b:s15+s16], $0x4000, s17, s16, $0x38;
	[tilespmem:$0x10100] =	vst v63  }
0x36: {  	p1 =	sge.u32 s31, s5  }
.Ltmp2:
0x37: {  	_ = 	snop;
	(pc) =	sbr.rel @p1 .LBB1_5-.Ltmp2, $1  }
0x38: {  	_ =	sdelay $0x3  }
0x39: {  	s15 =	simm.s32 $0x1  }
0x3a: {  	_ =	swait.ge [sflag:s4], $0x4000;
	s15 =	simm.s32 @!p0 $0x0  }
0x3b: {  	[sflag:s4] =	ssyncset.done $0x0;
	s16 =	sshll.u32 s15, $0xE  }
0x3c: {  	[sflag:s4] =	ssyncadd.s32 $0xFFFFC000;
	s18 =	sor.u32 $0x40, s16  }
0x3d: {  	s15 =	smul.u32 $0x10200, s15;
	v0 =	vld [tilespmem:s18+$0x30]  }
0x3e: {  	v1 =	vld [tilespmem:s18+$0xFFFFFFD0]  }
0x3f: {  	s15 =	sshrl.u32 s15, $0x2;
	v5 =	vld [tilespmem:s18+$0xFFFFFFE0]  }
0x40: {  	v6 =	vld [tilespmem:s18+$0xFFFFFFF0];
	s16 =	sor.u32 $0x8000, s15  }
0x41: {  	s31 =	sand.u32 $0x1, s12;
	v4 =	vld [tilespmem:s18+$0x0];
	s17 =	sadd.s32 $0x0, s16  }
0x42: {  	v3 =	vld [tilespmem:s18+$0x10];
	s15 =	smul.u32 $0x10200, s31;
	[tilespmem:s17+$0x3870 ss:$0x81] =	vst.msk $0xffff, v0  }
0x43: {  	v2 =	vld [tilespmem:s18+$0x20];
	[tilespmem:s17+$0x810 ss:$0x81] =	vst.msk $0xffff, v1  }
0x44: {  	s15 =	sshrl.u32 s15, $0x2;
	v0 =	vld [tilespmem:s18+$0xFFFFFFC0];
	[tilespmem:s17+$0x1020 ss:$0x81] =	vst.msk $0xffff, v5;
	s18 =	sadd.s32 $0x80, s18  }
0x45: {  	s19 =	simm.s32 $0x4;
	s20 =	simm.s32 $0x8;
	s15 =	sor.u32 $0x8000, s15;
	[tilespmem:s17+$0x1830 ss:$0x81] =	vst.msk $0xffff, v6;
	v1 =	vld [tilespmem:s18+$0x30]  }
.LBB1_3:
0x46: {  	p1 =	sne.s32 s20, $0x1FC;
	v5 =	vld [tilespmem:s18+$0xFFFFFFD0];
	[tilespmem:s17+$0x2040 ss:$0x81] =	vst.msk $0xffff, v4  }
0x47: {  	v6 =	vld [tilespmem:s18+$0xFFFFFFE0];
	[tilespmem:s17+$0x2850 ss:$0x81] =	vst.msk $0xffff, v3  }
0x48: {  	s21 =	sshra.s32 s19, $0x2;
	s19 =	smov.u32 s20;
	v7 =	vld [tilespmem:s18+$0xFFFFFFF0];
	[tilespmem:s17+$0x3060 ss:$0x81] =	vst.msk $0xffff, v2  }
.Ltmp3:
0x49: {  	v4 =	vld [tilespmem:s18+$0x0];
	[tilespmem:s17+$0x0 ss:$0x81] =	vst.msk $0xffff, v0;
	s17 =	sadd.s32 s21, s16;
	(pc) =	sbr.rel @p1 .LBB1_3-.Ltmp3, $4  }
0x4a: {  	v3 =	vld [tilespmem:s18+$0x10];
	[tilespmem:s17+$0x3870 ss:$0x81] =	vst.msk $0xffff, v1  }
0x4b: {  	[tilespmem:s17+$0x810 ss:$0x81] =	vst.msk $0xffff, v5;
	v2 =	vld [tilespmem:s18+$0x20]  }
0x4c: {  	v0 =	vld [tilespmem:s18+$0xFFFFFFC0];
	[tilespmem:s17+$0x1020 ss:$0x81] =	vst.msk $0xffff, v6;
	s18 =	sadd.s32 $0x80, s18  }
0x4d: {  	s20 =	sadd.s32 $0x4, s20;
	v1 =	vld [tilespmem:s18+$0x30];
	[tilespmem:s17+$0x1830 ss:$0x81] =	vst.msk $0xffff, v7  }
.Ltmp4:
0x4e: {  	_ = 	snop;
	(pc) =	sbr.rel .LBB1_4-.Ltmp4, $1  }
0x4f: {  	_ =	sdelay $0x3  }
.LBB1_6:
0x50: {  	_ =	sfence.sel $0x180000  }
0x51: {  	s2 =	simm.s32 $0x1;
	[bflag:$0x0] =	sbarrier.arrive $0xFFFF  }
0x52: {  	s31 =	simm.s32 $0x2;
	[sflag:s2] =	ssyncpa.u1 $0x1  }
0x53: {  	[sflag:s31] =	ssyncpa.u1 $0x1  }
0x54: {  	p0 =	sne.s32 s0, $0x0;
	_ =	strace $0x9000004D  }
0x55: {  	s0 =	sadd.s32 @!p0 $0x100000, s1;
	[bflag:$0x2] =	sbarrier.arrive $0xFFFF  }
0x56: {  	[sflag:s0] =	ssyncadd.tile.s32 @!p0 $0x1;
	_ =	shalt  }
.Lfunc_end1:
_tile_overlayer_lowered:
.L_overlay_start_2:
0x57: {  	(tag) =	ssettag $0x2  }
0x58: {  	s0 =	rddreg [dreg:$0x0];
	s2 =	stileid.u32  }
0x59: {  	s1 =	rddreg [dreg:$0x1];
	p0 =	sne.s32 s2, $0x0  }
0x5a: {  	s3 =	rddreg [dreg:$0x2];
	[bflag:$0x3] =	sbarrier.arrive $0xFFFF;
	s2 =	simm.s32 @!p0 $0x1C01  }
0x5b: {  	[timem:s3], [sflag:s2] =	dma.local @!p0 [hbm:s0], s1  }
0x5c: {  	s0 =	simm.s32 @!p0 $0x1  }
0x5d: {  	_ =	swait.ge @!p0 [sflag:s0], s1  }
0x5e: {  	s1 =	ssub.s32 @!p0 $0x0, s1;
	[sflag:s0] =	ssyncset.done @!p0 $0x0  }
0x5f: {  	[sflag:s0] =	ssyncadd.s32 @!p0 s1  }
0x60: {  	[bflag:$0x3] =	sbarrier.arrive $0xFFFF  }
0x61: {  	_ =	shalt  }

// kernel: sparse-core-data-format-call.2.cloned.1.call-start
scs
called_computation.2_lowered:
.L_overlay_start_0:
0x0: {  	s1 =	sld [smem:$0x3FD9]  }
0x1: {  	s2 =	sld [smem:$0x3FFE];
	_ =	sdelay $0x1  }
0x2: {  	s3 =	srdreg.scid  }
0x3: {  	s0 =	sand.u32 $0x1, s3  }
0x4: {  	s17 =	sshll.u32 s0, $0xA;
	s1 =	sadd.s32 s2, s1  }
0x5: {  	s1 =	sadd.s32 s1, s17  }
0x6: {  	[smem:$0x3FC5] =	sst s1  }
0x7: {  	_ = 	snop  }
0x8: {  	(tm) =	ssettm $0x1  }
0x9: {  	s18 =	sld [smem:$0x3FFB];
	_ =	sdelay $0x3  }
0xa: {  	_ =	strace s18  }
0xb: {  	s1 =	sld [smem:$0x3FFC];
	_ =	sdelay $0x3  }
0xc: {  	_ =	strace s1  }
0xd: {  	s1 =	sld [smem:$0x3FFD];
	_ =	sdelay $0x3  }
0xe: {  	_ =	strace s1  }
0xf: {  	_ =	strace $0x8FFFFFFF  }
0x10: {  	s19 =	sld [smem:$0x3FDB];
	_ =	sdelay $0x1  }
0x11: {  	s20 =	simm.s32 $_scs_section_size  }
0x12: {  	s4 =	simm.s32 $_size__tile_overlayer_lowered;
	s5 =	simm.s32 $_tile_overlayer_lowered  }
0x13: {  	s23 =	simm.s32 $0x1BFF;
	s22 =	sshll.u32 s5, $0x1;
	s1 =	sadd.s32 s20, s19  }
0x14: {  	s6 =	simm.s32 $0x0;
	s21 =	sshll.u32 s4, $0x1;
	s4 =	sadd.s32 s22, s1  }
0x15: {  	[timem:s6], [sflag:s23] =	dma.local [hbm:s4], s21  }
0x16: {  	_ =	swait.ge [sflag:s23], s21  }
0x17: {  	s2 =	ssub.s32 $0x0, s21;
	[sflag:s23] =	ssyncset.done $0x0  }
0x18: {  	[sflag:s23] =	ssyncadd.s32 s2;
	_ =	sdelay $0x1  }
0x19: {  	s24 =	simm.s32 $0x1B8B  }
0x1a: {  	_ =	swait.ge [sflag:s24], $0x1  }
0x1b: {  	[sflag:s24] =	ssyncset.done $0x0  }
0x1c: {  	s26 =	simm.s32 $0x1B8E;
	s25 =	sld [smem:$0x3FFE];
	[sflag:s24] =	ssyncadd.s32 $0xFFFFFFFF  }
0x1d: {  	s27 =	simm.s32 $execute0_lowered;
	[smem:$0x3FD2] =	sst s26  }
0x1e: {  	s4 =	sshll.u32 s27, $0x1;
	_ =	strace $0x80000046;
	[dreg:$0x1] =	wrdreg $0xFFFFFFFF  }
0x1f: {  	s28 =	simm.s32 $_size_execute0_lowered;
	s1 =	sadd.s32 s1, s4;
	[dreg:$0x0] =	wrdreg $0x0  }
0x20: {  	s4 =	sshll.u32 s28, $0x1;
	[dreg:$0x2] =	wrdreg s1  }
0x21: {  	[dreg:$0x3] =	wrdreg s4  }
0x22: {  	[dreg:$0x4] =	wrdreg $0xC0  }
0x23: {  	_ =	task [dreg:s6], $0x5FFFF  }
0x24: {  	[dreg:$0x1] =	wrdreg $0xFFFFFFFF  }
0x25: {  	[dreg:$0x0] =	wrdreg $0x60  }
0x26: {  	[dreg:$0x2] =	wrdreg s25  }
0x27: {  	[dreg:$0x3] =	wrdreg $0x9  }
0x28: {  	_ =	task.clear_ibuf [dreg:s6], $0x4FFFF;
	_ =	strace $0x90000046  }
0x29: {  	s29 =	simm.s32 $0x9;
	_ =	strace $0x80000048  }
0x2a: {  	_ =	swait.ge [sflag:s29], $0x1  }
0x2b: {  	[sflag:s29] =	ssyncadd.s32 $0xFFFFFFFF  }
0x2c: {  	_ =	strace $0x90000048  }
0x2d: {  	_ =	sfence  }
0x2e: {  	s30 =	sld [smem:$0x0];
	_ =	sdelay $0x2  }
0x2f: {  	s31 =	sshll.u32 s3, $0xD;
	s3 =	sshrl.u32 s3, $0x2  }
0x30: {  	s2 =	sand.u32 $0x4000, s31;
	s1 =	sadd.s32 s3, s30  }
0x31: {  	s0 =	sor.u32 s2, s0;
	s1 =	sshll.u32 s1, $0x11  }
0x32: {  	s0 =	sor.u32 s1, s0  }
0x33: {  	s0 =	sadd.s32 $0x8F2B, s0  }
0x34: {  	[sflag:s0] =	ssyncadd.remote.s32 $0x1  }
0x35: {  	_ =	sfence.sel $0xFFFF  }
0x36: {  	[dreg:$0x0] =	wrdreg $0xFFFFFFFF;
	(pc) =	sbr.abs _section_cstart, $3  }
0x37: {  	[dreg:$0x1] =	wrdreg $0xFFFFFFFF  }
0x38: {  	_ =	task.clear_ibuf [dreg:s6], $0x2FFFF;
	_ =	strace $0x9FFFFFFF  }
0x39: {  	(tm) =	ssettm $0x7FFFFFFF  }
tec
execute0_lowered:
.L_overlay_start_1:
0x0: {  	(tag) =	ssettag $0x1  }
0x1: {  	s0 =	srdreg.scid  }
0x2: {  	s1 =	sshll.u32 s0, $0x4  }
0x3: {  	s0 =	stileid.u32;
	s1 =	sand.u32 $0x10, s1  }
0x4: {  	s6 =	rddreg [dreg:$0x0];
	s4 =	simm.s32 $0x1;
	s1 =	sor.u32 s0, s1  }
0x5: {  	s7 =	simm.s32 $0x2;
	s15 =	simm.s32 $0x0;
	s2 =	sshll.u32 s1, $0x7  }
0x6: {  	s8 =	simm.s32 $0x100000;
	s14 =	simm.s32 $0x0;
	s3 =	ssub.s32 $0x20000, s2  }
0x7: {  	s9 =	simm.s32 $0x0;
	s10 =	simm.s32 $0x0;
	s31 =	sand.u32 $0xF80, s3  }
0x8: {  	s11 =	simm.s32 $0x0;
	s1 =	rddreg [dreg:$0x1];
	p0 =	sne.s32 s31, $0x0  }
.Ltmp0:
0x9: {  	s5 =	sshrl.u32 s3, $0xC;
	s4 =	simm.s32 @!p0 $0x0;
	(pc) =	sbr.rel .LBB1_1-.Ltmp0, $4  }
0xa: {  	_ =	strace $0x80000047;
	s3 =	simm.s32 $0x1;
	s4 =	sadd.s32 s4, s5  }
0xb: {  	s13 =	simm.s32 $0x0;
	[sflag:s3] =	ssyncpa.u1 $0x0;
	s4 =	smul.u32 $0x7, s4  }
0xc: {  	s12 =	smov.u32 s2;
	[sflag:s7] =	ssyncpa.u1 $0x0;
	p0 =	por $0x0, $0x0  }
0xd: {  	s5 =	sadd.s32 $0x24A8000, s6;
	s6 =	sadd.s32 $0x32A8000, s6;
	s7 =	sadd.s32 $0x1, s4  }
.LBB1_4:
0xe: {  	s21 =	sshll.u32 s9, $0x11;
	s22 =	sshll.u32 s10, $0x3;
	s20 =	sshra.s32 s20, $0x2  }
0xf: {  	s28 =	sand.u32 $0x78, s10;
	s29 =	sshll.u32 s9, $0x7;
	p1 =	sgt.s32 s9, $0x290  }
0x10: {  	s25 =	sshra.s32 s9, $0x1F;
	s31 =	sshra.s32 s10, $0x1F;
	s21 =	sand.u32 $0xFFF00000, s21  }
0x11: {  	s23 =	sand.u32 $0xFFFFFC00, s22;
	s19 =	sadd.s32 s20, s19;
	s22 =	sand.u32 $0x1FC00, s22  }
0x12: {  	v5 =	vld [tilespmem:s17+$0xFFFFFFD0];
	[tilespmem:s18+$0x2040 ss:$0x81] =	vst.msk $0xffff, v4;
	s25 =	sand.u32 s25, s9;
	s27 =	sadd.s32 s23, s21;
	s23 =	sand.u32 $0x380, s29  }
0x13: {  	v58 =	vld [tilespmem:s17+$0xFFFFFFE0];
	[tilespmem:s18+$0x2850 ss:$0x81] =	vst.msk $0xffff, v3;
	s21 =	sor.u32 s28, s22;
	s22 =	smov.u32 s9;
	s20 =	sshrl.u32 s27, $0x11  }
0x14: {  	v59 =	vld [tilespmem:s17+$0xFFFFFFF0];
	[tilespmem:s18+$0x3060 ss:$0x81] =	vst.msk $0xffff, v2;
	s22 =	simm.s32 @!p1 $0x290;
	p1 =	sgt.s32 s10, $0x1FF80;
	s24 =	smul.u32 $0xA73, s20  }
0x15: {  	v60 =	vld [tilespmem:s17+$0x0];
	[tilespmem:s18+$0x0 ss:$0x81] =	vst.msk $0xffff, v1;
	s21 =	sor.u32 s23, s21;
	s30 =	ssub.s32 s22, s25;
	s22 =	smov.u32 s10  }
0x16: {  	v61 =	vld [tilespmem:s17+$0x10];
	[tilespmem:s19+$0x3870 ss:$0x81] =	vst.msk $0xffff, v0;
	s25 =	sand.u32 s31, s10;
	s22 =	simm.s32 @!p1 $0x1FF80;
	s24 =	sshrl.u32 s24, $0x15  }
0x17: {  	v62 =	vld [tilespmem:s17+$0x20];
	[tilespmem:s19+$0x810 ss:$0x81] =	vst.msk $0xffff, v5;
	s26 =	sadd.s32 $0xFFFFFD70, s30;
	s22 =	ssub.s32 s22, s25;
	s24 =	smul.u32 $0x310, s24  }
0x18: {  	v63 =	vld [tilespmem:s17+$0xFFFFFFC0];
	[tilespmem:s19+$0x1020 ss:$0x81] =	vst.msk $0xffff, v58;
	s18 =	ssub.s32 $0x310, s30;
	p1 =	sgt.s32 s26, $0x7F;
	s28 =	sadd.s32 $0xFFFE0080, s22  }
0x19: {  	[tilespmem:s19+$0x1830 ss:$0x81] =	vst.msk $0xffff, v59;
	p2 =	sgt.s32 s28, $0x7F;
	s27 =	ssub.s32 s20, s24;
	s20 =	ssub.s32 $0x20000, s22  }
0x1a: {  	s29 =	sshrl.u32 s21, $0x3;
	[tilespmem:s19+$0x2040 ss:$0x81] =	vst.msk $0xffff, v60;
	s18 =	simm.s32 @p1 $0x0;
	s20 =	simm.s32 @p2 $0x0  }
0x1b: {  	[tilespmem:s19+$0x2850 ss:$0x81] =	vst.msk $0xffff, v61;
	s30 =	sand.u32 $0x7, s10;
	s17 =	sand.u32 $0xFFFF, s27;
	s18 =	smul.u32 s20, s18  }
0x1c: {  	[tilespmem:s19+$0x3060 ss:$0x81] =	vst.msk $0xffff, v62;
	s21 =	sshll.u32 s30, $0x12;
	s17 =	sshll.u32 s17, $0xE;
	s20 =	sadd.s32 s6, s29  }
0x1d: {  	[tilespmem:s19+$0x0 ss:$0x81] =	vst.msk $0xffff, v63;
	s31 =	sor.u32 $0x400, s21;
	s17 =	sadd.s32 s17, s20;
	s18 =	sand.u32 $0x3FFFFFFF, s18  }
0x1e: {  	[hbm4b:s17+s31] =	stream.strided.scatter [tilespmem:s16], [sflag:$0x2], s18, s8, s31, $0x20;
	[tilespmem:$0x10100] =	vst v63  }
.LBB1_5:
0x1f: {  	p1 =	slt.u32 s13, $0x2  }
0x20: {  	s17 =	smov.u32 s15;
	p2 =	sgt.s32 @!p1 s15, $0x290;
	s16 =	sshra.s32 @!p1 s15, $0x1F  }
0x21: {  	p3 =	sgt.s32 @!p1 s14, $0x1FF80;
	s18 =	sshra.s32 @!p1 s14, $0x1F;
	p2 =	por !p2, p1  }
0x22: {  	s15 =	sand.u32 @!p1 s16, s15;
	p3 =	por !p3, p1;
	s16 =	smov.u32 s14  }
0x23: {  	s14 =	sand.u32 @!p1 s18, s14;
	s17 =	simm.s32 @p2 $0x290;
	s16 =	simm.s32 @p3 $0x1FF80  }
0x24: {  	s15 =	ssub.s32 @!p1 s17, s15;
	s14 =	ssub.s32 @!p1 s16, s14  }
0x25: {  	s18 =	smov.u32 s12;
	s16 =	sadd.s32 @!p1 $0xFFFFFD70, s15;
	s17 =	sadd.s32 @!p1 $0xFFFE0080, s14  }
0x26: {  	s15 =	ssub.s32 @!p1 $0x310, s15;
	p2 =	sgt.s32 @!p1 s16, $0x7F;
	p3 =	sgt.s32 @!p1 s17, $0x7F  }
0x27: {  	s14 =	ssub.s32 @!p1 $0x20000, s14;
	p2 =	por !p2, p1;
	p3 =	por !p3, p1  }
0x28: {  	s16 =	sadd.s32 $0x80, s11;
	s15 =	simm.s32 @!p2 $0x0;
	s14 =	simm.s32 @!p3 $0x0  }
0x29: {  	p2 =	sgt.s32 s16, $0x30D;
	s14 =	smul.u32 @!p1 s14, s15;
	s15 =	sadd.s32 $0x1000, s12  }
0x2a: {  	s18 =	smov.u32 @p2 s15  }
0x2b: {  	s16 =	simm.s32 @p2 $0x0;
	p2 =	sgt.s32 s18, $0x1FFFF  }
0x2c: {  	s18 =	smov.u32 @p2 s2;
	p2 =	sne.s32 s13, s7  }
.Ltmp1:
0x2d: {  	p0 =	por !p0, !p0;
	s17 =	simm.s32 @!p1 $0x2;
	(pc) =	sbr.rel @!p2 .LBB1_6-.Ltmp1, $4  }
0x2e: {  	s15 =	smov.u32 s9;
	s9 =	smov.u32 s11;
	s14 =	sand.u32 @!p1 $0x3FFFFFFF, s14  }
0x2f: {  	s11 =	smov.u32 s16;
	_ =	swait.ge @!p1 [sflag:s17], s14;
	s19 =	ssub.s32 @!p1 $0x0, s14  }
0x30: {  	s14 =	smov.u32 s10;
	s13 =	sadd.s32 $0x1, s13;
	[sflag:s17] =	ssyncset.done @!p1 $0x0  }
0x31: {  	s10 =	smov.u32 s12;
	s12 =	smov.u32 s18;
	[sflag:s17] =	ssyncadd.s32 @!p1 s19  }
.LBB1_1:
0x32: {  	p1 =	sge.u32 s13, s4  }
0x33: {  	s16 =	sshrl.u32 @!p1 s12, $0x3  }
0x34: {  	s17 =	sshll.u32 @!p1 s11, $0x3;
	s16 =	smul.u32 @!p1 $0x1C00, s16  }
0x35: {  	s18 =	sshll.u32 @!p1 s12, $0x7;
	s17 =	sand.u32 @!p1 $0xFFFFFC00, s17  }
0x36: {  	s16 =	sadd.s32 @!p1 s16, s17;
	s17 =	sand.u32 @!p1 $0x380, s18  }
0x37: {  	s16 =	sor.u32 @!p1 s17, s16  }
0x38: {  	s17 =	sshrl.u32 @!p1 s16, $0x7  }
0x39: {  	s17 =	smulhi.u32 @!p1 $0x24924925, s17;
	_ =	sdelay $0x1  }
0x3a: {  	s18 =	sand.u32 @!p1 $0x7F, s11;
	s19 =	smul.u32 @!p1 $0x380, s17  }
0x3b: {  	s31 =	sadd.s32 $0xFFFFFFFF, s13;
	s16 =	sor.u32 @!p1 s18, s16;
	s18 =	sxor.u32 @!p1 $0xFFFFFFFF, s13  }
0x3c: {  	s18 =	sshll.u32 @!p1 s18, $0xE;
	s17 =	sand.u32 @!p1 $0x1FFFF, s17;
	s16 =	ssub.s32 @!p1 s16, s19  }
0x3d: {  	s17 =	smul.u32 @!p1 $0x70, s17;
	s19 =	sshrl.u32 @!p1 s16, $0x3;
	s16 =	sand.u32 @!p1 $0x7, s16  }
0x3e: {  	s18 =	sand.u32 @!p1 $0x4000, s18;
	s19 =	sadd.s32 @!p1 s5, s19;
	s16 =	sshll.u32 @!p1 s16, $0x12  }
0x3f: {  	s17 =	sadd.s32 @!p1 s17, s19;
	s16 =	sor.u32 @!p1 $0x400, s16;
	s19 =	simm.s32 @!p1 $0x1C00  }
0x40: {  	[tilespmem:s18], [sflag:$0x1] =	stream.strided.gather @!p1 [hbm4b:s17+s16], $0x4000, s19, s16, $0x38;
	[tilespmem:$0x10100] =	vst v63  }
0x41: {  	p1 =	sge.u32 s31, s4  }
.Ltmp2:
0x42: {  	_ = 	snop;
	(pc) =	sbr.rel @p1 .LBB1_5-.Ltmp2, $1  }
0x43: {  	_ =	sdelay $0x3  }
0x44: {  	s16 =	simm.s32 $0x1  }
0x45: {  	_ =	swait.ge [sflag:s3], $0x4000;
	s16 =	simm.s32 @!p0 $0x0  }
0x46: {  	[sflag:s3] =	ssyncset.done $0x0;
	s17 =	sshll.u32 s16, $0xE  }
0x47: {  	[sflag:s3] =	ssyncadd.s32 $0xFFFFC000;
	s17 =	sor.u32 $0x40, s17  }
0x48: {  	s16 =	smul.u32 $0x10200, s16;
	v0 =	vld [tilespmem:s17+$0x30]  }
0x49: {  	v1 =	vld [tilespmem:s17+$0xFFFFFFD0]  }
0x4a: {  	s16 =	sshrl.u32 s16, $0x2;
	v5 =	vld [tilespmem:s17+$0xFFFFFFE0]  }
0x4b: {  	v6 =	vld [tilespmem:s17+$0xFFFFFFF0];
	s19 =	sor.u32 $0x8000, s16  }
0x4c: {  	s31 =	sand.u32 $0x1, s13;
	v4 =	vld [tilespmem:s17+$0x0];
	s18 =	sadd.s32 $0x0, s19  }
0x4d: {  	v3 =	vld [tilespmem:s17+$0x10];
	s16 =	smul.u32 $0x10200, s31;
	[tilespmem:s18+$0x3870 ss:$0x81] =	vst.msk $0xffff, v0  }
0x4e: {  	v2 =	vld [tilespmem:s17+$0x20];
	[tilespmem:s18+$0x810 ss:$0x81] =	vst.msk $0xffff, v1  }
0x4f: {  	s16 =	sshrl.u32 s16, $0x2;
	v1 =	vld [tilespmem:s17+$0xFFFFFFC0];
	[tilespmem:s18+$0x1020 ss:$0x81] =	vst.msk $0xffff, v5;
	s17 =	sadd.s32 $0x80, s17  }
0x50: {  	s20 =	simm.s32 $0x4;
	s21 =	simm.s32 $0x8;
	s16 =	sor.u32 $0x8000, s16;
	[tilespmem:s18+$0x1830 ss:$0x81] =	vst.msk $0xffff, v6;
	v0 =	vld [tilespmem:s17+$0x30]  }
.LBB1_3:
0x51: {  	p1 =	sne.s32 s21, $0x1FC;
	v5 =	vld [tilespmem:s17+$0xFFFFFFD0];
	[tilespmem:s18+$0x2040 ss:$0x81] =	vst.msk $0xffff, v4  }
0x52: {  	v6 =	vld [tilespmem:s17+$0xFFFFFFE0];
	[tilespmem:s18+$0x2850 ss:$0x81] =	vst.msk $0xffff, v3  }
0x53: {  	s22 =	sshra.s32 s20, $0x2;
	s20 =	smov.u32 s21;
	v7 =	vld [tilespmem:s17+$0xFFFFFFF0];
	[tilespmem:s18+$0x3060 ss:$0x81] =	vst.msk $0xffff, v2  }
.Ltmp3:
0x54: {  	v4 =	vld [tilespmem:s17+$0x0];
	[tilespmem:s18+$0x0 ss:$0x81] =	vst.msk $0xffff, v1;
	s18 =	sadd.s32 s22, s19;
	(pc) =	sbr.rel @p1 .LBB1_3-.Ltmp3, $4  }
0x55: {  	v3 =	vld [tilespmem:s17+$0x10];
	[tilespmem:s18+$0x3870 ss:$0x81] =	vst.msk $0xffff, v0  }
0x56: {  	[tilespmem:s18+$0x810 ss:$0x81] =	vst.msk $0xffff, v5;
	v2 =	vld [tilespmem:s17+$0x20]  }
0x57: {  	v1 =	vld [tilespmem:s17+$0xFFFFFFC0];
	[tilespmem:s18+$0x1020 ss:$0x81] =	vst.msk $0xffff, v6;
	s17 =	sadd.s32 $0x80, s17  }
0x58: {  	s21 =	sadd.s32 $0x4, s21;
	v0 =	vld [tilespmem:s17+$0x30];
	[tilespmem:s18+$0x1830 ss:$0x81] =	vst.msk $0xffff, v7  }
.Ltmp4:
0x59: {  	_ = 	snop;
	(pc) =	sbr.rel .LBB1_4-.Ltmp4, $1  }
0x5a: {  	_ =	sdelay $0x3  }
.LBB1_6:
0x5b: {  	_ =	sfence.sel $0x180000  }
0x5c: {  	s2 =	simm.s32 $0x1;
	[bflag:$0x0] =	sbarrier.arrive $0xFFFF  }
0x5d: {  	s31 =	simm.s32 $0x2;
	[sflag:s2] =	ssyncpa.u1 $0x1  }
0x5e: {  	[sflag:s31] =	ssyncpa.u1 $0x1  }
0x5f: {  	p0 =	sne.s32 s0, $0x0;
	_ =	strace $0x90000047  }
0x60: {  	s0 =	sadd.s32 @!p0 $0x100000, s1;
	[bflag:$0x2] =	sbarrier.arrive $0xFFFF  }
0x61: {  	[sflag:s0] =	ssyncadd.tile.s32 @!p0 $0x1;
	_ =	shalt  }
.Lfunc_end1:
_tile_overlayer_lowered:
.L_overlay_start_2:
0x62: {  	(tag) =	ssettag $0x2  }
0x63: {  	s0 =	rddreg [dreg:$0x0];
	s2 =	stileid.u32  }
0x64: {  	s1 =	rddreg [dreg:$0x1];
	p0 =	sne.s32 s2, $0x0  }
0x65: {  	s3 =	rddreg [dreg:$0x2];
	[bflag:$0x3] =	sbarrier.arrive $0xFFFF;
	s2 =	simm.s32 @!p0 $0x1C01  }
0x66: {  	[timem:s3], [sflag:s2] =	dma.local @!p0 [hbm:s0], s1  }
0x67: {  	s0 =	simm.s32 @!p0 $0x1  }
0x68: {  	_ =	swait.ge @!p0 [sflag:s0], s1  }
0x69: {  	s1 =	ssub.s32 @!p0 $0x0, s1;
	[sflag:s0] =	ssyncset.done @!p0 $0x0  }
0x6a: {  	[sflag:s0] =	ssyncadd.s32 @!p0 s1  }
0x6b: {  	[bflag:$0x3] =	sbarrier.arrive $0xFFFF  }
0x6c: {  	_ =	shalt  }

// kernel: sparse-core-data-format-call.cloned.1.call-start
scs
called_computation_lowered:
.L_overlay_start_0:
0x0: {  	s1 =	sld [smem:$0x3FD9]  }
0x1: {  	s2 =	sld [smem:$0x3FFE];
	_ =	sdelay $0x1  }
0x2: {  	s3 =	srdreg.scid  }
0x3: {  	s0 =	sand.u32 $0x1, s3  }
0x4: {  	s17 =	sshll.u32 s0, $0xA;
	s1 =	sadd.s32 s2, s1  }
0x5: {  	s1 =	sadd.s32 s1, s17  }
0x6: {  	[smem:$0x3FC5] =	sst s1  }
0x7: {  	_ = 	snop  }
0x8: {  	(tm) =	ssettm $0x1  }
0x9: {  	s18 =	sld [smem:$0x3FFB];
	_ =	sdelay $0x3  }
0xa: {  	_ =	strace s18  }
0xb: {  	s1 =	sld [smem:$0x3FFC];
	_ =	sdelay $0x3  }
0xc: {  	_ =	strace s1  }
0xd: {  	s1 =	sld [smem:$0x3FFD];
	_ =	sdelay $0x3  }
0xe: {  	_ =	strace s1  }
0xf: {  	_ =	strace $0x8FFFFFFF  }
0x10: {  	s19 =	sld [smem:$0x3FDB];
	_ =	sdelay $0x1  }
0x11: {  	s20 =	simm.s32 $_scs_section_size  }
0x12: {  	s4 =	simm.s32 $_size__tile_overlayer_lowered;
	s5 =	simm.s32 $_tile_overlayer_lowered  }
0x13: {  	s23 =	simm.s32 $0x1BFF;
	s22 =	sshll.u32 s5, $0x1;
	s1 =	sadd.s32 s20, s19  }
0x14: {  	s6 =	simm.s32 $0x0;
	s21 =	sshll.u32 s4, $0x1;
	s4 =	sadd.s32 s22, s1  }
0x15: {  	[timem:s6], [sflag:s23] =	dma.local [hbm:s4], s21  }
0x16: {  	_ =	swait.ge [sflag:s23], s21  }
0x17: {  	s2 =	ssub.s32 $0x0, s21;
	[sflag:s23] =	ssyncset.done $0x0  }
0x18: {  	[sflag:s23] =	ssyncadd.s32 s2;
	_ =	sdelay $0x1  }
0x19: {  	s24 =	simm.s32 $0x1B8B  }
0x1a: {  	_ =	swait.ge [sflag:s24], $0x1  }
0x1b: {  	[sflag:s24] =	ssyncset.done $0x0  }
0x1c: {  	s26 =	simm.s32 $0x1B8E;
	s25 =	sld [smem:$0x3FFE];
	[sflag:s24] =	ssyncadd.s32 $0xFFFFFFFF  }
0x1d: {  	s27 =	simm.s32 $execute0_lowered;
	[smem:$0x3FD2] =	sst s26  }
0x1e: {  	s4 =	sshll.u32 s27, $0x1;
	_ =	strace $0x80000049;
	[dreg:$0x1] =	wrdreg $0xFFFFFFFF  }
0x1f: {  	s28 =	simm.s32 $_size_execute0_lowered;
	s1 =	sadd.s32 s1, s4;
	[dreg:$0x0] =	wrdreg $0x0  }
0x20: {  	s4 =	sshll.u32 s28, $0x1;
	[dreg:$0x2] =	wrdreg s1  }
0x21: {  	[dreg:$0x3] =	wrdreg s4  }
0x22: {  	[dreg:$0x4] =	wrdreg $0xC0  }
0x23: {  	_ =	task [dreg:s6], $0x5FFFF  }
0x24: {  	[dreg:$0x1] =	wrdreg $0xFFFFFFFF  }
0x25: {  	[dreg:$0x0] =	wrdreg $0x60  }
0x26: {  	[dreg:$0x2] =	wrdreg s25  }
0x27: {  	[dreg:$0x3] =	wrdreg $0x9  }
0x28: {  	_ =	task.clear_ibuf [dreg:s6], $0x4FFFF;
	_ =	strace $0x90000049  }
0x29: {  	s29 =	simm.s32 $0x9;
	_ =	strace $0x8000004B  }
0x2a: {  	_ =	swait.ge [sflag:s29], $0x1  }
0x2b: {  	[sflag:s29] =	ssyncadd.s32 $0xFFFFFFFF  }
0x2c: {  	_ =	strace $0x9000004B  }
0x2d: {  	_ =	sfence  }
0x2e: {  	s30 =	sld [smem:$0x0];
	_ =	sdelay $0x2  }
0x2f: {  	s31 =	sshll.u32 s3, $0xD;
	s3 =	sshrl.u32 s3, $0x2  }
0x30: {  	s2 =	sand.u32 $0x4000, s31;
	s1 =	sadd.s32 s3, s30  }
0x31: {  	s0 =	sor.u32 s2, s0;
	s1 =	sshll.u32 s1, $0x11  }
0x32: {  	s0 =	sor.u32 s1, s0  }
0x33: {  	s0 =	sadd.s32 $0x8F2B, s0  }
0x34: {  	[sflag:s0] =	ssyncadd.remote.s32 $0x1  }
0x35: {  	_ =	sfence.sel $0xFFFF  }
0x36: {  	[dreg:$0x0] =	wrdreg $0xFFFFFFFF;
	(pc) =	sbr.abs _section_cstart, $3  }
0x37: {  	[dreg:$0x1] =	wrdreg $0xFFFFFFFF  }
0x38: {  	_ =	task.clear_ibuf [dreg:s6], $0x2FFFF;
	_ =	strace $0x9FFFFFFF  }
0x39: {  	(tm) =	ssettm $0x7FFFFFFF  }
tec
execute0_lowered:
.L_overlay_start_1:
0x0: {  	(tag) =	ssettag $0x1  }
0x1: {  	s0 =	stileid.u32  }
0x2: {  	s1 =	srdreg.scid;
	s2 =	rddreg [dreg:$0x0];
	s31 =	simm.s32 $0x2  }
0x3: {  	s14 =	simm.s32 $0x0;
	s13 =	simm.s32 $0x0;
	s12 =	simm.s32 $0x0  }
0x4: {  	s3 =	sshll.u32 s0, $0x7;
	s4 =	sshll.u32 s0, $0x4;
	s1 =	sshll.u32 s1, $0x8  }
0x5: {  	s3 =	sand.u32 $0x380, s3;
	s4 =	sor.u32 s4, s1;
	s1 =	rddreg [dreg:$0x1]  }
0x6: {  	_ =	strace $0x8000004A;
	s4 =	sand.u32 $0x180, s4;
	s5 =	ssub.s32 $0x400, s3  }
0x7: {  	s6 =	sand.u32 $0x380, s5;
	s7 =	ssub.s32 $0x17700, s4;
	s9 =	sshrl.u32 s5, $0xA  }
0x8: {  	p0 =	sne.s32 s6, $0x0;
	s6 =	simm.s32 $0x1;
	s8 =	sand.u32 $0x180, s7  }
0x9: {  	s6 =	simm.s32 @!p0 $0x0;
	p0 =	sne.s32 s8, $0x0;
	s8 =	simm.s32 $0x1  }
.Ltmp0:
0xa: {  	s7 =	sshrl.u32 s7, $0x9;
	s8 =	simm.s32 @!p0 $0x0;
	(pc) =	sbr.rel .LBB1_1-.Ltmp0, $4  }
0xb: {  	s5 =	simm.s32 $0x1;
	s6 =	sadd.s32 s6, s9;
	s7 =	sadd.s32 s8, s7  }
0xc: {  	s11 =	smov.u32 s3;
	[sflag:s5] =	ssyncpa.u1 $0x0;
	s6 =	smul.u32 s6, s7  }
0xd: {  	s10 =	smov.u32 s4;
	[sflag:s31] =	ssyncpa.u1 $0x0;
	p0 =	por $0x0, $0x0  }
0xe: {  	s9 =	simm.s32 $0x2000;
	s7 =	sadd.s32 $0x1870000, s2;
	s8 =	sadd.s32 $0x1, s6  }
.LBB1_4:
0xf: {  	v5 =	vld [tilespmem:s18+$0xFFFFFFD0];
	[tilespmem:s17+$0x2040 ss:$0x81] =	vst.msk $0xffff, v4;
	s20 =	sshll.u32 s14, $0xA;
	s21 =	sshll.u32 s13, $0x3  }
0x10: {  	v58 =	vld [tilespmem:s18+$0xFFFFFFE0];
	[tilespmem:s17+$0x2850 ss:$0x81] =	vst.msk $0xffff, v3;
	s20 =	sand.u32 $0xFFFFE000, s20;
	s21 =	sand.u32 $0xFFFFFC00, s21  }
0x11: {  	s19 =	sshra.s32 s19, $0x2;
	v59 =	vld [tilespmem:s18+$0xFFFFFFF0];
	[tilespmem:s17+$0x3060 ss:$0x81] =	vst.msk $0xffff, v2;
	s20 =	sadd.s32 s21, s20  }
0x12: {  	v60 =	vld [tilespmem:s18+$0x0];
	[tilespmem:s17+$0x0 ss:$0x81] =	vst.msk $0xffff, v0;
	s16 =	sadd.s32 s19, s16;
	s26 =	sshrl.u32 s20, $0xA  }
0x13: {  	v61 =	vld [tilespmem:s18+$0x10];
	[tilespmem:s16+$0x3870 ss:$0x81] =	vst.msk $0xffff, v1;
	s27 =	smulhi.u32 $0x2BB0D, s26  }
0x14: {  	v62 =	vld [tilespmem:s18+$0x20];
	[tilespmem:s16+$0x810 ss:$0x81] =	vst.msk $0xffff, v5  }
0x15: {  	v63 =	vld [tilespmem:s18+$0xFFFFFFC0];
	s28 =	sshll.u32 s14, $0x7;
	[tilespmem:s16+$0x1020 ss:$0x81] =	vst.msk $0xffff, v58;
	s29 =	sshrl.u32 s27, $0x2  }
0x16: {  	s30 =	sand.u32 $0x78, s13;
	s14 =	sand.u32 $0x380, s28;
	[tilespmem:s16+$0x1830 ss:$0x81] =	vst.msk $0xffff, v59;
	s18 =	smul.u32 $0x17700, s29  }
0x17: {  	s14 =	sor.u32 s30, s14;
	[tilespmem:s16+$0x2040 ss:$0x81] =	vst.msk $0xffff, v60  }
0x18: {  	s31 =	sand.u32 $0x7, s13;
	s14 =	sshrl.u32 s14, $0x3;
	[tilespmem:s16+$0x2850 ss:$0x81] =	vst.msk $0xffff, v61;
	s17 =	ssub.s32 s26, s18  }
0x19: {  	s13 =	sshll.u32 s31, $0x12;
	s14 =	sadd.s32 s7, s14;
	[tilespmem:s16+$0x3060 ss:$0x81] =	vst.msk $0xffff, v62;
	s17 =	sshll.u32 s17, $0x7  }
0x1a: {  	s13 =	sor.u32 $0x400, s13;
	[tilespmem:s16+$0x0 ss:$0x81] =	vst.msk $0xffff, v63;
	s14 =	sadd.s32 s17, s14  }
0x1b: {  	[hbm4b:s14+s13] =	stream.strided.scatter [tilespmem:s15], [sflag:$0x2], $0x4000, s9, s13, $0x20;
	[tilespmem:$0x10100] =	vst v63  }
.LBB1_5:
0x1c: {  	s15 =	sadd.s32 $0x200, s10  }
0x1d: {  	s13 =	sadd.s32 $0x400, s11;
	s17 =	smov.u32 s11;
	p2 =	sgt.s32 s15, $0x176FF  }
0x1e: {  	s17 =	smov.u32 @p2 s13  }
0x1f: {  	s15 =	smov.u32 @p2 s4;
	p2 =	sgt.s32 s17, $0x3FF  }
0x20: {  	s17 =	smov.u32 @p2 s3;
	p2 =	sne.s32 s12, s8  }
.Ltmp1:
0x21: {  	p1 =	slt.u32 s12, $0x2;
	(pc) =	sbr.rel @!p2 .LBB1_6-.Ltmp1, $4  }
0x22: {  	s16 =	simm.s32 @!p1 $0x2  }
0x23: {  	s14 =	smov.u32 s10;
	p0 =	por !p0, !p0;
	_ =	swait.ge @!p1 [sflag:s16], $0x4000  }
0x24: {  	s13 =	smov.u32 s11;
	[sflag:s16] =	ssyncset.done @!p1 $0x0;
	s10 =	smov.u32 s15  }
0x25: {  	s12 =	sadd.s32 $0x1, s12;
	[sflag:s16] =	ssyncadd.s32 @!p1 $0xFFFFC000;
	s11 =	smov.u32 s17  }
.LBB1_1:
0x26: {  	p1 =	sge.u32 s12, s6  }
0x27: {  	s15 =	sshrl.u32 @!p1 s11, $0x3  }
0x28: {  	s16 =	sshll.u32 @!p1 s10, $0x3;
	s15 =	smul.u32 @!p1 $0xBB800, s15  }
0x29: {  	s17 =	sshll.u32 @!p1 s11, $0x7;
	s16 =	sand.u32 @!p1 $0xFFFFFC00, s16  }
0x2a: {  	s15 =	sadd.s32 @!p1 s15, s16;
	s16 =	sand.u32 @!p1 $0x380, s17  }
0x2b: {  	s17 =	sand.u32 @!p1 $0x7F, s10;
	s15 =	sor.u32 @!p1 s16, s15  }
0x2c: {  	s16 =	sor.u32 @!p1 s17, s15  }
0x2d: {  	s17 =	smulhi.u32 @!p1 $0x57619F1, s16;
	_ =	sdelay $0x1  }
0x2e: {  	s15 =	smulhi.u32 @!p1 $0x57619F1, s15;
	s17 =	sshrl.u32 @!p1 s17, $0xB  }
0x2f: {  	s17 =	smul.u32 @!p1 $0x17700, s17  }
0x30: {  	s31 =	sadd.s32 $0xFFFFFFFF, s12;
	s18 =	sxor.u32 @!p1 $0xFFFFFFFF, s12;
	s15 =	sshrl.u32 @!p1 s15, $0xB  }
0x31: {  	s18 =	sshll.u32 @!p1 s18, $0xE;
	s15 =	sand.u32 @!p1 $0x3FF, s15;
	s16 =	ssub.s32 @!p1 s16, s17  }
0x32: {  	s15 =	smul.u32 @!p1 $0x2EE0, s15;
	s17 =	sshrl.u32 @!p1 s16, $0x3;
	s16 =	sand.u32 @!p1 $0x7, s16  }
0x33: {  	s18 =	sand.u32 @!p1 $0x4000, s18;
	s17 =	sadd.s32 @!p1 s2, s17;
	s16 =	sshll.u32 @!p1 s16, $0x12  }
0x34: {  	s15 =	sadd.s32 @!p1 s15, s17;
	s16 =	sor.u32 @!p1 $0x400, s16;
	s17 =	simm.s32 @!p1 $0xBB800  }
0x35: {  	[tilespmem:s18], [sflag:$0x1] =	stream.strided.gather @!p1 [hbm4b:s15+s16], $0x4000, s17, s16, $0x38;
	[tilespmem:$0x10100] =	vst v63  }
0x36: {  	p1 =	sge.u32 s31, s6  }
.Ltmp2:
0x37: {  	_ = 	snop;
	(pc) =	sbr.rel @p1 .LBB1_5-.Ltmp2, $1  }
0x38: {  	_ =	sdelay $0x3  }
0x39: {  	s15 =	simm.s32 $0x1  }
0x3a: {  	_ =	swait.ge [sflag:s5], $0x4000;
	s15 =	simm.s32 @!p0 $0x0  }
0x3b: {  	[sflag:s5] =	ssyncset.done $0x0;
	s16 =	sshll.u32 s15, $0xE  }
0x3c: {  	[sflag:s5] =	ssyncadd.s32 $0xFFFFC000;
	s18 =	sor.u32 $0x40, s16  }
0x3d: {  	s15 =	smul.u32 $0x10200, s15;
	v0 =	vld [tilespmem:s18+$0x30]  }
0x3e: {  	v1 =	vld [tilespmem:s18+$0xFFFFFFD0]  }
0x3f: {  	s15 =	sshrl.u32 s15, $0x2;
	v5 =	vld [tilespmem:s18+$0xFFFFFFE0]  }
0x40: {  	v6 =	vld [tilespmem:s18+$0xFFFFFFF0];
	s16 =	sor.u32 $0x8000, s15  }
0x41: {  	s31 =	sand.u32 $0x1, s12;
	v4 =	vld [tilespmem:s18+$0x0];
	s17 =	sadd.s32 $0x0, s16  }
0x42: {  	v3 =	vld [tilespmem:s18+$0x10];
	s15 =	smul.u32 $0x10200, s31;
	[tilespmem:s17+$0x3870 ss:$0x81] =	vst.msk $0xffff, v0  }
0x43: {  	v2 =	vld [tilespmem:s18+$0x20];
	[tilespmem:s17+$0x810 ss:$0x81] =	vst.msk $0xffff, v1  }
0x44: {  	s15 =	sshrl.u32 s15, $0x2;
	v0 =	vld [tilespmem:s18+$0xFFFFFFC0];
	[tilespmem:s17+$0x1020 ss:$0x81] =	vst.msk $0xffff, v5;
	s18 =	sadd.s32 $0x80, s18  }
0x45: {  	s19 =	simm.s32 $0x4;
	s20 =	simm.s32 $0x8;
	s15 =	sor.u32 $0x8000, s15;
	[tilespmem:s17+$0x1830 ss:$0x81] =	vst.msk $0xffff, v6;
	v1 =	vld [tilespmem:s18+$0x30]  }
.LBB1_3:
0x46: {  	p1 =	sne.s32 s20, $0x1FC;
	v5 =	vld [tilespmem:s18+$0xFFFFFFD0];
	[tilespmem:s17+$0x2040 ss:$0x81] =	vst.msk $0xffff, v4  }
0x47: {  	v6 =	vld [tilespmem:s18+$0xFFFFFFE0];
	[tilespmem:s17+$0x2850 ss:$0x81] =	vst.msk $0xffff, v3  }
0x48: {  	s21 =	sshra.s32 s19, $0x2;
	s19 =	smov.u32 s20;
	v7 =	vld [tilespmem:s18+$0xFFFFFFF0];
	[tilespmem:s17+$0x3060 ss:$0x81] =	vst.msk $0xffff, v2  }
.Ltmp3:
0x49: {  	v4 =	vld [tilespmem:s18+$0x0];
	[tilespmem:s17+$0x0 ss:$0x81] =	vst.msk $0xffff, v0;
	s17 =	sadd.s32 s21, s16;
	(pc) =	sbr.rel @p1 .LBB1_3-.Ltmp3, $4  }
0x4a: {  	v3 =	vld [tilespmem:s18+$0x10];
	[tilespmem:s17+$0x3870 ss:$0x81] =	vst.msk $0xffff, v1  }
0x4b: {  	[tilespmem:s17+$0x810 ss:$0x81] =	vst.msk $0xffff, v5;
	v2 =	vld [tilespmem:s18+$0x20]  }
0x4c: {  	v0 =	vld [tilespmem:s18+$0xFFFFFFC0];
	[tilespmem:s17+$0x1020 ss:$0x81] =	vst.msk $0xffff, v6;
	s18 =	sadd.s32 $0x80, s18  }
0x4d: {  	s20 =	sadd.s32 $0x4, s20;
	v1 =	vld [tilespmem:s18+$0x30];
	[tilespmem:s17+$0x1830 ss:$0x81] =	vst.msk $0xffff, v7  }
.Ltmp4:
0x4e: {  	_ = 	snop;
	(pc) =	sbr.rel .LBB1_4-.Ltmp4, $1  }
0x4f: {  	_ =	sdelay $0x3  }
.LBB1_6:
0x50: {  	_ =	sfence.sel $0x180000  }
0x51: {  	s2 =	simm.s32 $0x1;
	[bflag:$0x0] =	sbarrier.arrive $0xFFFF  }
0x52: {  	s31 =	simm.s32 $0x2;
	[sflag:s2] =	ssyncpa.u1 $0x1  }
0x53: {  	[sflag:s31] =	ssyncpa.u1 $0x1  }
0x54: {  	p0 =	sne.s32 s0, $0x0;
	_ =	strace $0x9000004A  }
0x55: {  	s0 =	sadd.s32 @!p0 $0x100000, s1;
	[bflag:$0x2] =	sbarrier.arrive $0xFFFF  }
0x56: {  	[sflag:s0] =	ssyncadd.tile.s32 @!p0 $0x1;
	_ =	shalt  }
.Lfunc_end1:
_tile_overlayer_lowered:
.L_overlay_start_2:
0x57: {  	(tag) =	ssettag $0x2  }
0x58: {  	s0 =	rddreg [dreg:$0x0];
	s2 =	stileid.u32  }
0x59: {  	s1 =	rddreg [dreg:$0x1];
	p0 =	sne.s32 s2, $0x0  }
0x5a: {  	s3 =	rddreg [dreg:$0x2];
	[bflag:$0x3] =	sbarrier.arrive $0xFFFF;
	s2 =	simm.s32 @!p0 $0x1C01  }
0x5b: {  	[timem:s3], [sflag:s2] =	dma.local @!p0 [hbm:s0], s1  }
0x5c: {  	s0 =	simm.s32 @!p0 $0x1  }
0x5d: {  	_ =	swait.ge @!p0 [sflag:s0], s1  }
0x5e: {  	s1 =	ssub.s32 @!p0 $0x0, s1;
	[sflag:s0] =	ssyncset.done @!p0 $0x0  }
0x5f: {  	[sflag:s0] =	ssyncadd.s32 @!p0 s1  }
0x60: {  	[bflag:$0x3] =	sbarrier.arrive $0xFFFF  }
0x61: {  	_ =	shalt  }

</sc_bundles>
